<compile_context>
chip_gen: v7x
topology: tpu7x:2x2x1
jax: 0.10.2.dev20260603
libtpu: 0.0.44.dev20260713+nightly
codegen_flags: <defaults>
</compile_context>

<pallas_src>
import functools

import jax
import jax.numpy as jnp
from jax import lax
from jax.experimental import pallas as pl
from jax.experimental.pallas import tpu as pltpu
from jax.experimental.pallas import tpu_sc as plsc



def _sc_gather(gidx, emb_flat, lin16, *, rows_total, D):
    info = plsc.get_sparse_core_info()
    NC, NS = info.num_cores, info.num_subcores
    NW = NC * NS
    assert rows_total % (NW * 128) == 0
    per_w = rows_total // NW
    CH = 1024
    assert per_w % CH == 0
    n_groups = per_w // CH
    NSUB = CH // 128
    NV = CH // 16

    mesh = plsc.VectorSubcoreMesh(core_axis_name="c", subcore_axis_name="s")

    @functools.partial(
        pl.kernel,
        out_type=[
            jax.ShapeDtypeStruct((rows_total, D), jnp.float32),
            jax.ShapeDtypeStruct((rows_total,), jnp.float32),
        ],
        mesh=mesh,
        compiler_params=pltpu.CompilerParams(
            use_tc_tiling_on_sc=False, needs_layout_passes=False),
        scratch_types=[
            pltpu.VMEM((CH,), jnp.int32),
            pltpu.VMEM((CH,), jnp.int32),
            pltpu.VMEM((CH, D), jnp.float32),
            pltpu.VMEM((CH, 16), jnp.float32),
            pltpu.VMEM((CH,), jnp.float32),
            pltpu.SemaphoreType.DMA,
        ],
    )
    def k(gidx_hbm, emb_hbm, lin_hbm, emb_out, lin_out,
          idx_v, hi_v, emb_v, linraw_v, lin_v, sem):
        wid = lax.axis_index("s") * NC + lax.axis_index("c")
        base = wid * per_w

        def body(g, carry):
            r0 = base + g * CH
            pltpu.sync_copy(gidx_hbm.at[pl.ds(r0, CH)], idx_v)

            def p1(kk, c):
                v = idx_v[pl.ds(kk * 16, 16)]
                hi_v[pl.ds(kk * 16, 16)] = lax.shift_right_logical(
                    v, jnp.full((16,), 4, jnp.int32))
                return c
            lax.fori_loop(0, NV, p1, 0)

            handles = []
            for j in range(NSUB):
                sl = pl.ds(j * 128, 128)
                handles.append(pltpu.async_copy(
                    emb_hbm.at[idx_v.at[sl]], emb_v.at[sl], sem))
                handles.append(pltpu.async_copy(
                    lin_hbm.at[hi_v.at[sl]], linraw_v.at[sl], sem))
            for h in handles:
                h.wait()

            def p2(kk, c):
                v = idx_v[pl.ds(kk * 16, 16)]
                col = lax.bitwise_and(v, jnp.full((16,), 15, jnp.int32))
                pos = kk * 16 + lax.iota(jnp.int32, 16)
                lin_v[pl.ds(kk * 16, 16)] = plsc.load_gather(linraw_v, [pos, col])
                return c
            lax.fori_loop(0, NV, p2, 0)

            pltpu.sync_copy(emb_v, emb_out.at[pl.ds(r0, CH)])
            pltpu.sync_copy(lin_v, lin_out.at[pl.ds(r0, CH)])
            return carry

        lax.fori_loop(0, n_groups, body, 0)

    return k(gidx, emb_flat, lin16)



def _tc_body(x_ref, lin_ref, s_ref, W1_ref, b1_ref, W2_ref, b2_ref,
             W3_ref, b3_ref, W4_ref, S_ref, out_ref):
    x = x_ref[...]
    h = jnp.maximum(
        jnp.dot(x, W1_ref[...], preferred_element_type=jnp.float32) + b1_ref[...], 0.0)
    h = jnp.maximum(
        jnp.dot(h, W2_ref[...], preferred_element_type=jnp.float32) + b2_ref[...], 0.0)
    h = jnp.maximum(
        jnp.dot(h, W3_ref[...], preferred_element_type=jnp.float32) + b3_ref[...], 0.0)
    y_deep = jnp.dot(h, W4_ref[...], preferred_element_type=jnp.float32)[:, 0]
    sv = jnp.dot(x, S_ref[...], preferred_element_type=jnp.float32)
    second = 0.5 * (jnp.sum(sv * sv, axis=1) - jnp.sum(x * x, axis=1))
    first = jnp.sum(lin_ref[...], axis=1)
    out_ref[...] = s_ref[0, 0] + first + second + y_deep


def _tc_mlp(x, lin2d, scalar, W1, b1, W2, b2, W3, b3, W4, S):
    B, FD = x.shape
    F = lin2d.shape[1]
    D = S.shape[1]
    H1, H2, H3 = W1.shape[1], W2.shape[1], W3.shape[1]
    BB = 1024
    assert B % BB == 0
    grid = (B // BB,)
    return pl.pallas_call(
        _tc_body,
        grid=grid,
        in_specs=[
            pl.BlockSpec((BB, FD), lambda i: (i, 0)),
            pl.BlockSpec((BB, F), lambda i: (i, 0)),
            pl.BlockSpec(memory_space=pltpu.SMEM),
            pl.BlockSpec((FD, H1), lambda i: (0, 0)),
            pl.BlockSpec((1, H1), lambda i: (0, 0)),
            pl.BlockSpec((H1, H2), lambda i: (0, 0)),
            pl.BlockSpec((1, H2), lambda i: (0, 0)),
            pl.BlockSpec((H2, H3), lambda i: (0, 0)),
            pl.BlockSpec((1, H3), lambda i: (0, 0)),
            pl.BlockSpec((H3, 1), lambda i: (0, 0)),
            pl.BlockSpec((FD, D), lambda i: (0, 0)),
        ],
        out_specs=pl.BlockSpec((BB,), lambda i: (i,)),
        out_shape=jax.ShapeDtypeStruct((B,), jnp.float32),
    )(x, lin2d, scalar, W1, b1, W2, b2, W3, b3, W4, S)


def kernel(features, emb_tables, lin_tables, bias, W1, b1, W2, b2, W3, b3, W4, b4):
    B, F = features.shape
    _, V, D = emb_tables.shape
    FD = F * D

    emb_flat = emb_tables.reshape(F * V, D)
    lin16 = lin_tables.reshape(F * V // 16, 16)
    offs = (jnp.arange(F, dtype=jnp.int32) * V)[None, :]
    gidx = (features + offs).reshape(B * F)

    emb_rows, lin_vals = _sc_gather(gidx, emb_flat, lin16,
                                    rows_total=B * F, D=D)
    x = emb_rows.reshape(B, FD)
    lin2d = lin_vals.reshape(B, F)

    scalar = (bias + b4).reshape(1, 1)
    S = jnp.tile(jnp.eye(D, dtype=jnp.float32), (F, 1))
    return _tc_mlp(x, lin2d, scalar, W1, b1.reshape(1, -1), W2, b2.reshape(1, -1),
                   W3, b3.reshape(1, -1), W4, S)

# --- scband reference (transcript-rebuilt; emitter-appended) ---
"""Pipeline reference for scband-deep-fm-23244363006413 (READ-ONLY COPY).

The authoritative reference and input builder live on the scoring server;
editing this copy changes nothing except your own understanding.
"""

import jax, jax.numpy as jnp
import numpy as np

B = 16384
F = 26
V = 100000
D = 32
H1, H2, H3 = 256, 128, 64


def setup_inputs(seed: int = 0) -> dict:
    key = jax.random.key(seed)
    ks = jax.random.split(key, 12)
    features = jax.random.randint(ks[0], (B, F), 0, V, dtype=jnp.int32)
    emb_tables = jax.random.normal(ks[1], (F, V, D), dtype=jnp.float32) * 0.01
    lin_tables = jax.random.normal(ks[2], (F, V, 1), dtype=jnp.float32) * 0.01
    bias = jnp.zeros((1,), dtype=jnp.float32)
    W1 = jax.random.normal(ks[3], (F * D, H1), dtype=jnp.float32) * (1.0 / np.sqrt(F * D))
    b1 = jnp.zeros((H1,), dtype=jnp.float32)
    W2 = jax.random.normal(ks[4], (H1, H2), dtype=jnp.float32) * (1.0 / np.sqrt(H1))
    b2 = jnp.zeros((H2,), dtype=jnp.float32)
    W3 = jax.random.normal(ks[5], (H2, H3), dtype=jnp.float32) * (1.0 / np.sqrt(H2))
    b3 = jnp.zeros((H3,), dtype=jnp.float32)
    W4 = jax.random.normal(ks[6], (H3, 1), dtype=jnp.float32) * (1.0 / np.sqrt(H3))
    b4 = jnp.zeros((1,), dtype=jnp.float32)
    return {"features": features, "emb_tables": emb_tables, "lin_tables": lin_tables,
            "bias": bias, "W1": W1, "b1": b1, "W2": W2, "b2": b2,
            "W3": W3, "b3": b3, "W4": W4, "b4": b4}


def reference(features, emb_tables, lin_tables, bias, W1, b1, W2, b2, W3, b3, W4, b4):
    num_fields = features.shape[1]
    f_idx = jnp.arange(num_fields)[None, :]
    # per-field embedding gather: [B, F, D]
    latent_vectors = emb_tables[f_idx, features]
    # per-field linear weights: [B, F, 1]
    linear_terms = lin_tables[f_idx, features]
    first_order = jnp.squeeze(jnp.sum(linear_terms, axis=1), axis=-1)
    sum_of_vectors = jnp.sum(latent_vectors, axis=1)
    square_of_sum = jnp.sum(sum_of_vectors ** 2, axis=-1)
    sum_of_squares = jnp.sum(latent_vectors ** 2, axis=(1, 2))
    second_order = 0.5 * (square_of_sum - sum_of_squares)
    y_fm = jnp.squeeze(bias) + first_order + second_order
    batch_size = features.shape[0]
    h = latent_vectors.reshape(batch_size, -1)
    h = jax.nn.relu(h @ W1 + b1)
    h = jax.nn.relu(h @ W2 + b2)
    h = jax.nn.relu(h @ W3 + b3)
    y_deep = jnp.squeeze(h @ W4 + b4, axis=-1)
    return y_fm + y_deep

if __name__ == "__main__":
    import jax
    _d = setup_inputs()
    print(jax.jit(kernel)(*tuple(_d.values())))

</pallas_src>

<mosaic_0001>
#map = affine_map<(d0, d1) -> (0)>
#map1 = affine_map<(d0, d1) -> (0, 0)>
module attributes {stable_mosaic.version = 14 : i64} {
  func.func @k(%arg0: i32, %arg1: i32, %arg2: memref<425984xi32, #tpu.memory_space<hbm>>, %arg3: memref<2600000x32xf32, #tpu.memory_space<hbm>>, %arg4: memref<162500x16xf32, #tpu.memory_space<hbm>>, %arg5: memref<425984x32xf32, #tpu.memory_space<hbm>>, %arg6: memref<425984xf32, #tpu.memory_space<hbm>>, %arg7: memref<1024xi32, #tpu.memory_space<vmem>>, %arg8: memref<1024xi32, #tpu.memory_space<vmem>>, %arg9: memref<1024x32xf32, #tpu.memory_space<vmem>>, %arg10: memref<1024x16xf32, #tpu.memory_space<vmem>>, %arg11: memref<1024xf32, #tpu.memory_space<vmem>>, %arg12: memref<!tpu.dma_semaphore, #tpu.memory_space<semaphore_mem>>) attributes {dimension_semantics = [#tpu.dimension_semantics<core_parallel>, #tpu.dimension_semantics<subcore_parallel>], iteration_bounds = array<i64: 2, 16>, scalar_prefetch = 0 : i64, scratch_operands = 6 : i64, tpu.core_type = #tpu.core_type<sc_vector_subcore>, window_params = [{transform_indices = #map}, {transform_indices = #map1}, {transform_indices = #map1}, {transform_indices = #map1}, {transform_indices = #map}]} {
    %mul3A = arith.constant 2 : i32
    %mul3A_0 = arith.muli %arg1, %mul3A : i32
    %add3A = arith.addi %mul3A_0, %arg0 : i32
    %mul3A_1 = arith.constant 13312 : i32
    %mul3A_2 = arith.muli %add3A, %mul3A_1 : i32
    %scan3A = arith.constant 0 : i32
    %scan3A_3 = arith.constant 0 : i32
    %scan3A_4 = arith.constant 13 : i32
    %scan3A_5 = arith.addi %scan3A_3, %scan3A_4 : i32
    %scan3A_6 = arith.constant 1 : i32
    scf.for %scan3A_8 = %scan3A_3 to %scan3A_5 step %scan3A_6  : i32 {
      %mul3A_9 = arith.constant 1024 : i32
      %mul3A_10 = arith.muli %scan3A_8, %mul3A_9 : i32
      %add3A_11 = arith.addi %mul3A_2, %mul3A_10 : i32
      "tpu.region"() ({
        %run_scoped3A = tpu.sem_alloc : memref<!tpu.dma_semaphore, #tpu.memory_space<semaphore_mem>>
        %dma_start3A_278 = tpu.memref_slice %arg2[%add3A_11] : memref<425984xi32, #tpu.memory_space<hbm>> -> memref<1024xi32, #tpu.memory_space<hbm>>
        %dma_start3A_279 = tpu.memref_slice %arg2[%add3A_11] : memref<425984xi32, #tpu.memory_space<hbm>> -> memref<1024xi32, #tpu.memory_space<hbm>>
        tpu.enqueue_dma source(%dma_start3A_279 : memref<1024xi32, #tpu.memory_space<hbm>>) target(%arg7 : memref<1024xi32, #tpu.memory_space<vmem>>) target_semaphore(%run_scoped3A : memref<!tpu.dma_semaphore, #tpu.memory_space<semaphore_mem>>)
        %dma_wait3A_280 = tpu.memref_slice %arg2[%add3A_11] : memref<425984xi32, #tpu.memory_space<hbm>> -> memref<1024xi32, #tpu.memory_space<hbm>>
        %dma_wait3A_281 = tpu.memref_slice %arg2[%add3A_11] : memref<425984xi32, #tpu.memory_space<hbm>> -> memref<1024xi32, #tpu.memory_space<hbm>>
        tpu.wait_dma2 semaphore(%run_scoped3A : memref<!tpu.dma_semaphore, #tpu.memory_space<semaphore_mem>>) src(%dma_wait3A_281 : memref<1024xi32, #tpu.memory_space<hbm>>) dst(%arg7 : memref<1024xi32, #tpu.memory_space<vmem>>)
        tpu.yield
      }) : () -> ()
      %scan3A_12 = arith.constant 0 : i32
      %scan3A_13 = arith.constant 0 : i32
      %scan3A_14 = arith.constant 64 : i32
      %scan3A_15 = arith.addi %scan3A_13, %scan3A_14 : i32
      %scan3A_16 = arith.constant 1 : i32
      scf.for %scan3A_278 = %scan3A_13 to %scan3A_15 step %scan3A_16  : i32 {
        %mul3A_279 = arith.constant 16 : i32
        %mul3A_280 = arith.muli %scan3A_278, %mul3A_279 : i32
        %get3A = arith.index_cast %mul3A_280 : i32 to index
        %get3A_281 = tpu.vector_load %arg7[%get3A] {strides = array<i32>} : memref<1024xi32, #tpu.memory_space<vmem>>, vector<16xi32>,
        %broadcast_in_dim3A = arith.constant 4 : i32
        %broadcast_in_dim3A_282 = vector.broadcast %broadcast_in_dim3A : i32 to vector<16xi32>
        %shift_right_logical3A = arith.shrui %get3A_281, %broadcast_in_dim3A_282 : vector<16xi32>
        %mul3A_283 = arith.constant 16 : i32
        %mul3A_284 = arith.muli %scan3A_278, %mul3A_283 : i32
        %swap3A = arith.index_cast %mul3A_284 : i32 to index
        %swap3A_285 = tpu.vector_load %arg8[%swap3A] {strides = array<i32>} : memref<1024xi32, #tpu.memory_space<vmem>>, vector<16xi32>,
        tpu.vector_store %arg8[%swap3A], %shift_right_logical3A {strides = array<i32>} : memref<1024xi32, #tpu.memory_space<vmem>>, vector<16xi32>,
      }
      %scan3A_17 = arith.constant 64 : i32
      %dma_start3A = arith.constant 0 : i32
      %dma_start3A_18 = arith.constant 0 : i32
      %dma_start3A_19 = tpu.memref_slice %arg9[%dma_start3A, %dma_start3A_18] : memref<1024x32xf32, #tpu.memory_space<vmem>> -> memref<128x32xf32, #tpu.memory_space<vmem>>
      %dma_start3A_20 = arith.constant 0 : i32
      %dma_start3A_21 = tpu.memref_slice %arg7[%dma_start3A_20] : memref<1024xi32, #tpu.memory_space<vmem>> -> memref<128xi32, #tpu.memory_space<vmem>>
      %dma_start3A_22 = arith.constant 0 : i32
      %dma_start3A_23 = arith.constant 0 : i32
      %dma_start3A_24 = tpu.memref_slice %arg3[%dma_start3A_22, %dma_start3A_23] : memref<2600000x32xf32, #tpu.memory_space<hbm>> -> memref<2600000x32xf32, #tpu.memory_space<hbm>>
      tpu.enqueue_indirect_dma source(%dma_start3A_24 : memref<2600000x32xf32, #tpu.memory_space<hbm>>) target(%dma_start3A_19 : memref<128x32xf32, #tpu.memory_space<vmem>>) offsets(%dma_start3A_21 : memref<128xi32, #tpu.memory_space<vmem>>) semaphore(%arg12 : memref<!tpu.dma_semaphore, #tpu.memory_space<semaphore_mem>>)
      %dma_start3A_25 = arith.constant 0 : i32
      %dma_start3A_26 = arith.constant 0 : i32
      %dma_start3A_27 = tpu.memref_slice %arg10[%dma_start3A_25, %dma_start3A_26] : memref<1024x16xf32, #tpu.memory_space<vmem>> -> memref<128x16xf32, #tpu.memory_space<vmem>>
      %dma_start3A_28 = arith.constant 0 : i32
      %dma_start3A_29 = tpu.memref_slice %arg8[%dma_start3A_28] : memref<1024xi32, #tpu.memory_space<vmem>> -> memref<128xi32, #tpu.memory_space<vmem>>
      %dma_start3A_30 = arith.constant 0 : i32
      %dma_start3A_31 = arith.constant 0 : i32
      %dma_start3A_32 = tpu.memref_slice %arg4[%dma_start3A_30, %dma_start3A_31] : memref<162500x16xf32, #tpu.memory_space<hbm>> -> memref<162500x16xf32, #tpu.memory_space<hbm>>
      tpu.enqueue_indirect_dma source(%dma_start3A_32 : memref<162500x16xf32, #tpu.memory_space<hbm>>) target(%dma_start3A_27 : memref<128x16xf32, #tpu.memory_space<vmem>>) offsets(%dma_start3A_29 : memref<128xi32, #tpu.memory_space<vmem>>) semaphore(%arg12 : memref<!tpu.dma_semaphore, #tpu.memory_space<semaphore_mem>>)
      %dma_start3A_33 = arith.constant 128 : i32
      %dma_start3A_34 = arith.constant 0 : i32
      %dma_start3A_35 = tpu.memref_slice %arg9[%dma_start3A_33, %dma_start3A_34] : memref<1024x32xf32, #tpu.memory_space<vmem>> -> memref<128x32xf32, #tpu.memory_space<vmem>>
      %dma_start3A_36 = arith.constant 128 : i32
      %dma_start3A_37 = tpu.memref_slice %arg7[%dma_start3A_36] : memref<1024xi32, #tpu.memory_space<vmem>> -> memref<128xi32, #tpu.memory_space<vmem>>
      %dma_start3A_38 = arith.constant 0 : i32
      %dma_start3A_39 = arith.constant 0 : i32
      %dma_start3A_40 = tpu.memref_slice %arg3[%dma_start3A_38, %dma_start3A_39] : memref<2600000x32xf32, #tpu.memory_space<hbm>> -> memref<2600000x32xf32, #tpu.memory_space<hbm>>
      tpu.enqueue_indirect_dma source(%dma_start3A_40 : memref<2600000x32xf32, #tpu.memory_space<hbm>>) target(%dma_start3A_35 : memref<128x32xf32, #tpu.memory_space<vmem>>) offsets(%dma_start3A_37 : memref<128xi32, #tpu.memory_space<vmem>>) semaphore(%arg12 : memref<!tpu.dma_semaphore, #tpu.memory_space<semaphore_mem>>)
      %dma_start3A_41 = arith.constant 128 : i32
      %dma_start3A_42 = arith.constant 0 : i32
      %dma_start3A_43 = tpu.memref_slice %arg10[%dma_start3A_41, %dma_start3A_42] : memref<1024x16xf32, #tpu.memory_space<vmem>> -> memref<128x16xf32, #tpu.memory_space<vmem>>
      %dma_start3A_44 = arith.constant 128 : i32
      %dma_start3A_45 = tpu.memref_slice %arg8[%dma_start3A_44] : memref<1024xi32, #tpu.memory_space<vmem>> -> memref<128xi32, #tpu.memory_space<vmem>>
      %dma_start3A_46 = arith.constant 0 : i32
      %dma_start3A_47 = arith.constant 0 : i32
      %dma_start3A_48 = tpu.memref_slice %arg4[%dma_start3A_46, %dma_start3A_47] : memref<162500x16xf32, #tpu.memory_space<hbm>> -> memref<162500x16xf32, #tpu.memory_space<hbm>>
      tpu.enqueue_indirect_dma source(%dma_start3A_48 : memref<162500x16xf32, #tpu.memory_space<hbm>>) target(%dma_start3A_43 : memref<128x16xf32, #tpu.memory_space<vmem>>) offsets(%dma_start3A_45 : memref<128xi32, #tpu.memory_space<vmem>>) semaphore(%arg12 : memref<!tpu.dma_semaphore, #tpu.memory_space<semaphore_mem>>)
      %dma_start3A_49 = arith.constant 256 : i32
      %dma_start3A_50 = arith.constant 0 : i32
      %dma_start3A_51 = tpu.memref_slice %arg9[%dma_start3A_49, %dma_start3A_50] : memref<1024x32xf32, #tpu.memory_space<vmem>> -> memref<128x32xf32, #tpu.memory_space<vmem>>
      %dma_start3A_52 = arith.constant 256 : i32
      %dma_start3A_53 = tpu.memref_slice %arg7[%dma_start3A_52] : memref<1024xi32, #tpu.memory_space<vmem>> -> memref<128xi32, #tpu.memory_space<vmem>>
      %dma_start3A_54 = arith.constant 0 : i32
      %dma_start3A_55 = arith.constant 0 : i32
      %dma_start3A_56 = tpu.memref_slice %arg3[%dma_start3A_54, %dma_start3A_55] : memref<2600000x32xf32, #tpu.memory_space<hbm>> -> memref<2600000x32xf32, #tpu.memory_space<hbm>>
      tpu.enqueue_indirect_dma source(%dma_start3A_56 : memref<2600000x32xf32, #tpu.memory_space<hbm>>) target(%dma_start3A_51 : memref<128x32xf32, #tpu.memory_space<vmem>>) offsets(%dma_start3A_53 : memref<128xi32, #tpu.memory_space<vmem>>) semaphore(%arg12 : memref<!tpu.dma_semaphore, #tpu.memory_space<semaphore_mem>>)
      %dma_start3A_57 = arith.constant 256 : i32
      %dma_start3A_58 = arith.constant 0 : i32
      %dma_start3A_59 = tpu.memref_slice %arg10[%dma_start3A_57, %dma_start3A_58] : memref<1024x16xf32, #tpu.memory_space<vmem>> -> memref<128x16xf32, #tpu.memory_space<vmem>>
      %dma_start3A_60 = arith.constant 256 : i32
      %dma_start3A_61 = tpu.memref_slice %arg8[%dma_start3A_60] : memref<1024xi32, #tpu.memory_space<vmem>> -> memref<128xi32, #tpu.memory_space<vmem>>
      %dma_start3A_62 = arith.constant 0 : i32
      %dma_start3A_63 = arith.constant 0 : i32
      %dma_start3A_64 = tpu.memref_slice %arg4[%dma_start3A_62, %dma_start3A_63] : memref<162500x16xf32, #tpu.memory_space<hbm>> -> memref<162500x16xf32, #tpu.memory_space<hbm>>
      tpu.enqueue_indirect_dma source(%dma_start3A_64 : memref<162500x16xf32, #tpu.memory_space<hbm>>) target(%dma_start3A_59 : memref<128x16xf32, #tpu.memory_space<vmem>>) offsets(%dma_start3A_61 : memref<128xi32, #tpu.memory_space<vmem>>) semaphore(%arg12 : memref<!tpu.dma_semaphore, #tpu.memory_space<semaphore_mem>>)
      %dma_start3A_65 = arith.constant 384 : i32
      %dma_start3A_66 = arith.constant 0 : i32
      %dma_start3A_67 = tpu.memref_slice %arg9[%dma_start3A_65, %dma_start3A_66] : memref<1024x32xf32, #tpu.memory_space<vmem>> -> memref<128x32xf32, #tpu.memory_space<vmem>>
      %dma_start3A_68 = arith.constant 384 : i32
      %dma_start3A_69 = tpu.memref_slice %arg7[%dma_start3A_68] : memref<1024xi32, #tpu.memory_space<vmem>> -> memref<128xi32, #tpu.memory_space<vmem>>
      %dma_start3A_70 = arith.constant 0 : i32
      %dma_start3A_71 = arith.constant 0 : i32
      %dma_start3A_72 = tpu.memref_slice %arg3[%dma_start3A_70, %dma_start3A_71] : memref<2600000x32xf32, #tpu.memory_space<hbm>> -> memref<2600000x32xf32, #tpu.memory_space<hbm>>
      tpu.enqueue_indirect_dma source(%dma_start3A_72 : memref<2600000x32xf32, #tpu.memory_space<hbm>>) target(%dma_start3A_67 : memref<128x32xf32, #tpu.memory_space<vmem>>) offsets(%dma_start3A_69 : memref<128xi32, #tpu.memory_space<vmem>>) semaphore(%arg12 : memref<!tpu.dma_semaphore, #tpu.memory_space<semaphore_mem>>)
      %dma_start3A_73 = arith.constant 384 : i32
      %dma_start3A_74 = arith.constant 0 : i32
      %dma_start3A_75 = tpu.memref_slice %arg10[%dma_start3A_73, %dma_start3A_74] : memref<1024x16xf32, #tpu.memory_space<vmem>> -> memref<128x16xf32, #tpu.memory_space<vmem>>
      %dma_start3A_76 = arith.constant 384 : i32
      %dma_start3A_77 = tpu.memref_slice %arg8[%dma_start3A_76] : memref<1024xi32, #tpu.memory_space<vmem>> -> memref<128xi32, #tpu.memory_space<vmem>>
      %dma_start3A_78 = arith.constant 0 : i32
      %dma_start3A_79 = arith.constant 0 : i32
      %dma_start3A_80 = tpu.memref_slice %arg4[%dma_start3A_78, %dma_start3A_79] : memref<162500x16xf32, #tpu.memory_space<hbm>> -> memref<162500x16xf32, #tpu.memory_space<hbm>>
      tpu.enqueue_indirect_dma source(%dma_start3A_80 : memref<162500x16xf32, #tpu.memory_space<hbm>>) target(%dma_start3A_75 : memref<128x16xf32, #tpu.memory_space<vmem>>) offsets(%dma_start3A_77 : memref<128xi32, #tpu.memory_space<vmem>>) semaphore(%arg12 : memref<!tpu.dma_semaphore, #tpu.memory_space<semaphore_mem>>)
      %dma_start3A_81 = arith.constant 512 : i32
      %dma_start3A_82 = arith.constant 0 : i32
      %dma_start3A_83 = tpu.memref_slice %arg9[%dma_start3A_81, %dma_start3A_82] : memref<1024x32xf32, #tpu.memory_space<vmem>> -> memref<128x32xf32, #tpu.memory_space<vmem>>
      %dma_start3A_84 = arith.constant 512 : i32
      %dma_start3A_85 = tpu.memref_slice %arg7[%dma_start3A_84] : memref<1024xi32, #tpu.memory_space<vmem>> -> memref<128xi32, #tpu.memory_space<vmem>>
      %dma_start3A_86 = arith.constant 0 : i32
      %dma_start3A_87 = arith.constant 0 : i32
      %dma_start3A_88 = tpu.memref_slice %arg3[%dma_start3A_86, %dma_start3A_87] : memref<2600000x32xf32, #tpu.memory_space<hbm>> -> memref<2600000x32xf32, #tpu.memory_space<hbm>>
      tpu.enqueue_indirect_dma source(%dma_start3A_88 : memref<2600000x32xf32, #tpu.memory_space<hbm>>) target(%dma_start3A_83 : memref<128x32xf32, #tpu.memory_space<vmem>>) offsets(%dma_start3A_85 : memref<128xi32, #tpu.memory_space<vmem>>) semaphore(%arg12 : memref<!tpu.dma_semaphore, #tpu.memory_space<semaphore_mem>>)
      %dma_start3A_89 = arith.constant 512 : i32
      %dma_start3A_90 = arith.constant 0 : i32
      %dma_start3A_91 = tpu.memref_slice %arg10[%dma_start3A_89, %dma_start3A_90] : memref<1024x16xf32, #tpu.memory_space<vmem>> -> memref<128x16xf32, #tpu.memory_space<vmem>>
      %dma_start3A_92 = arith.constant 512 : i32
      %dma_start3A_93 = tpu.memref_slice %arg8[%dma_start3A_92] : memref<1024xi32, #tpu.memory_space<vmem>> -> memref<128xi32, #tpu.memory_space<vmem>>
      %dma_start3A_94 = arith.constant 0 : i32
      %dma_start3A_95 = arith.constant 0 : i32
      %dma_start3A_96 = tpu.memref_slice %arg4[%dma_start3A_94, %dma_start3A_95] : memref<162500x16xf32, #tpu.memory_space<hbm>> -> memref<162500x16xf32, #tpu.memory_space<hbm>>
      tpu.enqueue_indirect_dma source(%dma_start3A_96 : memref<162500x16xf32, #tpu.memory_space<hbm>>) target(%dma_start3A_91 : memref<128x16xf32, #tpu.memory_space<vmem>>) offsets(%dma_start3A_93 : memref<128xi32, #tpu.memory_space<vmem>>) semaphore(%arg12 : memref<!tpu.dma_semaphore, #tpu.memory_space<semaphore_mem>>)
      %dma_start3A_97 = arith.constant 640 : i32
      %dma_start3A_98 = arith.constant 0 : i32
      %dma_start3A_99 = tpu.memref_slice %arg9[%dma_start3A_97, %dma_start3A_98] : memref<1024x32xf32, #tpu.memory_space<vmem>> -> memref<128x32xf32, #tpu.memory_space<vmem>>
      %dma_start3A_100 = arith.constant 640 : i32
      %dma_start3A_101 = tpu.memref_slice %arg7[%dma_start3A_100] : memref<1024xi32, #tpu.memory_space<vmem>> -> memref<128xi32, #tpu.memory_space<vmem>>
      %dma_start3A_102 = arith.constant 0 : i32
      %dma_start3A_103 = arith.constant 0 : i32
      %dma_start3A_104 = tpu.memref_slice %arg3[%dma_start3A_102, %dma_start3A_103] : memref<2600000x32xf32, #tpu.memory_space<hbm>> -> memref<2600000x32xf32, #tpu.memory_space<hbm>>
      tpu.enqueue_indirect_dma source(%dma_start3A_104 : memref<2600000x32xf32, #tpu.memory_space<hbm>>) target(%dma_start3A_99 : memref<128x32xf32, #tpu.memory_space<vmem>>) offsets(%dma_start3A_101 : memref<128xi32, #tpu.memory_space<vmem>>) semaphore(%arg12 : memref<!tpu.dma_semaphore, #tpu.memory_space<semaphore_mem>>)
      %dma_start3A_105 = arith.constant 640 : i32
      %dma_start3A_106 = arith.constant 0 : i32
      %dma_start3A_107 = tpu.memref_slice %arg10[%dma_start3A_105, %dma_start3A_106] : memref<1024x16xf32, #tpu.memory_space<vmem>> -> memref<128x16xf32, #tpu.memory_space<vmem>>
      %dma_start3A_108 = arith.constant 640 : i32
      %dma_start3A_109 = tpu.memref_slice %arg8[%dma_start3A_108] : memref<1024xi32, #tpu.memory_space<vmem>> -> memref<128xi32, #tpu.memory_space<vmem>>
      %dma_start3A_110 = arith.constant 0 : i32
      %dma_start3A_111 = arith.constant 0 : i32
      %dma_start3A_112 = tpu.memref_slice %arg4[%dma_start3A_110, %dma_start3A_111] : memref<162500x16xf32, #tpu.memory_space<hbm>> -> memref<162500x16xf32, #tpu.memory_space<hbm>>
      tpu.enqueue_indirect_dma source(%dma_start3A_112 : memref<162500x16xf32, #tpu.memory_space<hbm>>) target(%dma_start3A_107 : memref<128x16xf32, #tpu.memory_space<vmem>>) offsets(%dma_start3A_109 : memref<128xi32, #tpu.memory_space<vmem>>) semaphore(%arg12 : memref<!tpu.dma_semaphore, #tpu.memory_space<semaphore_mem>>)
      %dma_start3A_113 = arith.constant 768 : i32
      %dma_start3A_114 = arith.constant 0 : i32
      %dma_start3A_115 = tpu.memref_slice %arg9[%dma_start3A_113, %dma_start3A_114] : memref<1024x32xf32, #tpu.memory_space<vmem>> -> memref<128x32xf32, #tpu.memory_space<vmem>>
      %dma_start3A_116 = arith.constant 768 : i32
      %dma_start3A_117 = tpu.memref_slice %arg7[%dma_start3A_116] : memref<1024xi32, #tpu.memory_space<vmem>> -> memref<128xi32, #tpu.memory_space<vmem>>
      %dma_start3A_118 = arith.constant 0 : i32
      %dma_start3A_119 = arith.constant 0 : i32
      %dma_start3A_120 = tpu.memref_slice %arg3[%dma_start3A_118, %dma_start3A_119] : memref<2600000x32xf32, #tpu.memory_space<hbm>> -> memref<2600000x32xf32, #tpu.memory_space<hbm>>
      tpu.enqueue_indirect_dma source(%dma_start3A_120 : memref<2600000x32xf32, #tpu.memory_space<hbm>>) target(%dma_start3A_115 : memref<128x32xf32, #tpu.memory_space<vmem>>) offsets(%dma_start3A_117 : memref<128xi32, #tpu.memory_space<vmem>>) semaphore(%arg12 : memref<!tpu.dma_semaphore, #tpu.memory_space<semaphore_mem>>)
      %dma_start3A_121 = arith.constant 768 : i32
      %dma_start3A_122 = arith.constant 0 : i32
      %dma_start3A_123 = tpu.memref_slice %arg10[%dma_start3A_121, %dma_start3A_122] : memref<1024x16xf32, #tpu.memory_space<vmem>> -> memref<128x16xf32, #tpu.memory_space<vmem>>
      %dma_start3A_124 = arith.constant 768 : i32
      %dma_start3A_125 = tpu.memref_slice %arg8[%dma_start3A_124] : memref<1024xi32, #tpu.memory_space<vmem>> -> memref<128xi32, #tpu.memory_space<vmem>>
      %dma_start3A_126 = arith.constant 0 : i32
      %dma_start3A_127 = arith.constant 0 : i32
      %dma_start3A_128 = tpu.memref_slice %arg4[%dma_start3A_126, %dma_start3A_127] : memref<162500x16xf32, #tpu.memory_space<hbm>> -> memref<162500x16xf32, #tpu.memory_space<hbm>>
      tpu.enqueue_indirect_dma source(%dma_start3A_128 : memref<162500x16xf32, #tpu.memory_space<hbm>>) target(%dma_start3A_123 : memref<128x16xf32, #tpu.memory_space<vmem>>) offsets(%dma_start3A_125 : memref<128xi32, #tpu.memory_space<vmem>>) semaphore(%arg12 : memref<!tpu.dma_semaphore, #tpu.memory_space<semaphore_mem>>)
      %dma_start3A_129 = arith.constant 896 : i32
      %dma_start3A_130 = arith.constant 0 : i32
      %dma_start3A_131 = tpu.memref_slice %arg9[%dma_start3A_129, %dma_start3A_130] : memref<1024x32xf32, #tpu.memory_space<vmem>> -> memref<128x32xf32, #tpu.memory_space<vmem>>
      %dma_start3A_132 = arith.constant 896 : i32
      %dma_start3A_133 = tpu.memref_slice %arg7[%dma_start3A_132] : memref<1024xi32, #tpu.memory_space<vmem>> -> memref<128xi32, #tpu.memory_space<vmem>>
      %dma_start3A_134 = arith.constant 0 : i32
      %dma_start3A_135 = arith.constant 0 : i32
      %dma_start3A_136 = tpu.memref_slice %arg3[%dma_start3A_134, %dma_start3A_135] : memref<2600000x32xf32, #tpu.memory_space<hbm>> -> memref<2600000x32xf32, #tpu.memory_space<hbm>>
      tpu.enqueue_indirect_dma source(%dma_start3A_136 : memref<2600000x32xf32, #tpu.memory_space<hbm>>) target(%dma_start3A_131 : memref<128x32xf32, #tpu.memory_space<vmem>>) offsets(%dma_start3A_133 : memref<128xi32, #tpu.memory_space<vmem>>) semaphore(%arg12 : memref<!tpu.dma_semaphore, #tpu.memory_space<semaphore_mem>>)
      %dma_start3A_137 = arith.constant 896 : i32
      %dma_start3A_138 = arith.constant 0 : i32
      %dma_start3A_139 = tpu.memref_slice %arg10[%dma_start3A_137, %dma_start3A_138] : memref<1024x16xf32, #tpu.memory_space<vmem>> -> memref<128x16xf32, #tpu.memory_space<vmem>>
      %dma_start3A_140 = arith.constant 896 : i32
      %dma_start3A_141 = tpu.memref_slice %arg8[%dma_start3A_140] : memref<1024xi32, #tpu.memory_space<vmem>> -> memref<128xi32, #tpu.memory_space<vmem>>
      %dma_start3A_142 = arith.constant 0 : i32
      %dma_start3A_143 = arith.constant 0 : i32
      %dma_start3A_144 = tpu.memref_slice %arg4[%dma_start3A_142, %dma_start3A_143] : memref<162500x16xf32, #tpu.memory_space<hbm>> -> memref<162500x16xf32, #tpu.memory_space<hbm>>
      tpu.enqueue_indirect_dma source(%dma_start3A_144 : memref<162500x16xf32, #tpu.memory_space<hbm>>) target(%dma_start3A_139 : memref<128x16xf32, #tpu.memory_space<vmem>>) offsets(%dma_start3A_141 : memref<128xi32, #tpu.memory_space<vmem>>) semaphore(%arg12 : memref<!tpu.dma_semaphore, #tpu.memory_space<semaphore_mem>>)
      %dma_wait3A = arith.constant 0 : i32
      %dma_wait3A_145 = arith.constant 0 : i32
      %dma_wait3A_146 = tpu.memref_slice %arg9[%dma_wait3A, %dma_wait3A_145] : memref<1024x32xf32, #tpu.memory_space<vmem>> -> memref<128x32xf32, #tpu.memory_space<vmem>>
      %dma_wait3A_147 = arith.constant 0 : i32
      %dma_wait3A_148 = tpu.memref_slice %arg7[%dma_wait3A_147] : memref<1024xi32, #tpu.memory_space<vmem>> -> memref<128xi32, #tpu.memory_space<vmem>>
      %dma_wait3A_149 = arith.constant 0 : i32
      %dma_wait3A_150 = arith.constant 0 : i32
      %dma_wait3A_151 = tpu.memref_slice %arg3[%dma_wait3A_149, %dma_wait3A_150] : memref<2600000x32xf32, #tpu.memory_space<hbm>> -> memref<2600000x32xf32, #tpu.memory_space<hbm>>
      tpu.wait_indirect_dma semaphore(%arg12 : memref<!tpu.dma_semaphore, #tpu.memory_space<semaphore_mem>>) src(%dma_wait3A_151 : memref<2600000x32xf32, #tpu.memory_space<hbm>>) dst(%dma_wait3A_146 : memref<128x32xf32, #tpu.memory_space<vmem>>)
      %dma_wait3A_152 = arith.constant 0 : i32
      %dma_wait3A_153 = arith.constant 0 : i32
      %dma_wait3A_154 = tpu.memref_slice %arg10[%dma_wait3A_152, %dma_wait3A_153] : memref<1024x16xf32, #tpu.memory_space<vmem>> -> memref<128x16xf32, #tpu.memory_space<vmem>>
      %dma_wait3A_155 = arith.constant 0 : i32
      %dma_wait3A_156 = tpu.memref_slice %arg8[%dma_wait3A_155] : memref<1024xi32, #tpu.memory_space<vmem>> -> memref<128xi32, #tpu.memory_space<vmem>>
      %dma_wait3A_157 = arith.constant 0 : i32
      %dma_wait3A_158 = arith.constant 0 : i32
      %dma_wait3A_159 = tpu.memref_slice %arg4[%dma_wait3A_157, %dma_wait3A_158] : memref<162500x16xf32, #tpu.memory_space<hbm>> -> memref<162500x16xf32, #tpu.memory_space<hbm>>
      tpu.wait_indirect_dma semaphore(%arg12 : memref<!tpu.dma_semaphore, #tpu.memory_space<semaphore_mem>>) src(%dma_wait3A_159 : memref<162500x16xf32, #tpu.memory_space<hbm>>) dst(%dma_wait3A_154 : memref<128x16xf32, #tpu.memory_space<vmem>>)
      %dma_wait3A_160 = arith.constant 128 : i32
      %dma_wait3A_161 = arith.constant 0 : i32
      %dma_wait3A_162 = tpu.memref_slice %arg9[%dma_wait3A_160, %dma_wait3A_161] : memref<1024x32xf32, #tpu.memory_space<vmem>> -> memref<128x32xf32, #tpu.memory_space<vmem>>
      %dma_wait3A_163 = arith.constant 128 : i32
      %dma_wait3A_164 = tpu.memref_slice %arg7[%dma_wait3A_163] : memref<1024xi32, #tpu.memory_space<vmem>> -> memref<128xi32, #tpu.memory_space<vmem>>
      %dma_wait3A_165 = arith.constant 0 : i32
      %dma_wait3A_166 = arith.constant 0 : i32
      %dma_wait3A_167 = tpu.memref_slice %arg3[%dma_wait3A_165, %dma_wait3A_166] : memref<2600000x32xf32, #tpu.memory_space<hbm>> -> memref<2600000x32xf32, #tpu.memory_space<hbm>>
      tpu.wait_indirect_dma semaphore(%arg12 : memref<!tpu.dma_semaphore, #tpu.memory_space<semaphore_mem>>) src(%dma_wait3A_167 : memref<2600000x32xf32, #tpu.memory_space<hbm>>) dst(%dma_wait3A_162 : memref<128x32xf32, #tpu.memory_space<vmem>>)
      %dma_wait3A_168 = arith.constant 128 : i32
      %dma_wait3A_169 = arith.constant 0 : i32
      %dma_wait3A_170 = tpu.memref_slice %arg10[%dma_wait3A_168, %dma_wait3A_169] : memref<1024x16xf32, #tpu.memory_space<vmem>> -> memref<128x16xf32, #tpu.memory_space<vmem>>
      %dma_wait3A_171 = arith.constant 128 : i32
      %dma_wait3A_172 = tpu.memref_slice %arg8[%dma_wait3A_171] : memref<1024xi32, #tpu.memory_space<vmem>> -> memref<128xi32, #tpu.memory_space<vmem>>
      %dma_wait3A_173 = arith.constant 0 : i32
      %dma_wait3A_174 = arith.constant 0 : i32
      %dma_wait3A_175 = tpu.memref_slice %arg4[%dma_wait3A_173, %dma_wait3A_174] : memref<162500x16xf32, #tpu.memory_space<hbm>> -> memref<162500x16xf32, #tpu.memory_space<hbm>>
      tpu.wait_indirect_dma semaphore(%arg12 : memref<!tpu.dma_semaphore, #tpu.memory_space<semaphore_mem>>) src(%dma_wait3A_175 : memref<162500x16xf32, #tpu.memory_space<hbm>>) dst(%dma_wait3A_170 : memref<128x16xf32, #tpu.memory_space<vmem>>)
      %dma_wait3A_176 = arith.constant 256 : i32
      %dma_wait3A_177 = arith.constant 0 : i32
      %dma_wait3A_178 = tpu.memref_slice %arg9[%dma_wait3A_176, %dma_wait3A_177] : memref<1024x32xf32, #tpu.memory_space<vmem>> -> memref<128x32xf32, #tpu.memory_space<vmem>>
      %dma_wait3A_179 = arith.constant 256 : i32
      %dma_wait3A_180 = tpu.memref_slice %arg7[%dma_wait3A_179] : memref<1024xi32, #tpu.memory_space<vmem>> -> memref<128xi32, #tpu.memory_space<vmem>>
      %dma_wait3A_181 = arith.constant 0 : i32
      %dma_wait3A_182 = arith.constant 0 : i32
      %dma_wait3A_183 = tpu.memref_slice %arg3[%dma_wait3A_181, %dma_wait3A_182] : memref<2600000x32xf32, #tpu.memory_space<hbm>> -> memref<2600000x32xf32, #tpu.memory_space<hbm>>
      tpu.wait_indirect_dma semaphore(%arg12 : memref<!tpu.dma_semaphore, #tpu.memory_space<semaphore_mem>>) src(%dma_wait3A_183 : memref<2600000x32xf32, #tpu.memory_space<hbm>>) dst(%dma_wait3A_178 : memref<128x32xf32, #tpu.memory_space<vmem>>)
      %dma_wait3A_184 = arith.constant 256 : i32
      %dma_wait3A_185 = arith.constant 0 : i32
      %dma_wait3A_186 = tpu.memref_slice %arg10[%dma_wait3A_184, %dma_wait3A_185] : memref<1024x16xf32, #tpu.memory_space<vmem>> -> memref<128x16xf32, #tpu.memory_space<vmem>>
      %dma_wait3A_187 = arith.constant 256 : i32
      %dma_wait3A_188 = tpu.memref_slice %arg8[%dma_wait3A_187] : memref<1024xi32, #tpu.memory_space<vmem>> -> memref<128xi32, #tpu.memory_space<vmem>>
      %dma_wait3A_189 = arith.constant 0 : i32
      %dma_wait3A_190 = arith.constant 0 : i32
      %dma_wait3A_191 = tpu.memref_slice %arg4[%dma_wait3A_189, %dma_wait3A_190] : memref<162500x16xf32, #tpu.memory_space<hbm>> -> memref<162500x16xf32, #tpu.memory_space<hbm>>
      tpu.wait_indirect_dma semaphore(%arg12 : memref<!tpu.dma_semaphore, #tpu.memory_space<semaphore_mem>>) src(%dma_wait3A_191 : memref<162500x16xf32, #tpu.memory_space<hbm>>) dst(%dma_wait3A_186 : memref<128x16xf32, #tpu.memory_space<vmem>>)
      %dma_wait3A_192 = arith.constant 384 : i32
      %dma_wait3A_193 = arith.constant 0 : i32
      %dma_wait3A_194 = tpu.memref_slice %arg9[%dma_wait3A_192, %dma_wait3A_193] : memref<1024x32xf32, #tpu.memory_space<vmem>> -> memref<128x32xf32, #tpu.memory_space<vmem>>
      %dma_wait3A_195 = arith.constant 384 : i32
      %dma_wait3A_196 = tpu.memref_slice %arg7[%dma_wait3A_195] : memref<1024xi32, #tpu.memory_space<vmem>> -> memref<128xi32, #tpu.memory_space<vmem>>
      %dma_wait3A_197 = arith.constant 0 : i32
      %dma_wait3A_198 = arith.constant 0 : i32
      %dma_wait3A_199 = tpu.memref_slice %arg3[%dma_wait3A_197, %dma_wait3A_198] : memref<2600000x32xf32, #tpu.memory_space<hbm>> -> memref<2600000x32xf32, #tpu.memory_space<hbm>>
      tpu.wait_indirect_dma semaphore(%arg12 : memref<!tpu.dma_semaphore, #tpu.memory_space<semaphore_mem>>) src(%dma_wait3A_199 : memref<2600000x32xf32, #tpu.memory_space<hbm>>) dst(%dma_wait3A_194 : memref<128x32xf32, #tpu.memory_space<vmem>>)
      %dma_wait3A_200 = arith.constant 384 : i32
      %dma_wait3A_201 = arith.constant 0 : i32
      %dma_wait3A_202 = tpu.memref_slice %arg10[%dma_wait3A_200, %dma_wait3A_201] : memref<1024x16xf32, #tpu.memory_space<vmem>> -> memref<128x16xf32, #tpu.memory_space<vmem>>
      %dma_wait3A_203 = arith.constant 384 : i32
      %dma_wait3A_204 = tpu.memref_slice %arg8[%dma_wait3A_203] : memref<1024xi32, #tpu.memory_space<vmem>> -> memref<128xi32, #tpu.memory_space<vmem>>
      %dma_wait3A_205 = arith.constant 0 : i32
      %dma_wait3A_206 = arith.constant 0 : i32
      %dma_wait3A_207 = tpu.memref_slice %arg4[%dma_wait3A_205, %dma_wait3A_206] : memref<162500x16xf32, #tpu.memory_space<hbm>> -> memref<162500x16xf32, #tpu.memory_space<hbm>>
      tpu.wait_indirect_dma semaphore(%arg12 : memref<!tpu.dma_semaphore, #tpu.memory_space<semaphore_mem>>) src(%dma_wait3A_207 : memref<162500x16xf32, #tpu.memory_space<hbm>>) dst(%dma_wait3A_202 : memref<128x16xf32, #tpu.memory_space<vmem>>)
      %dma_wait3A_208 = arith.constant 512 : i32
      %dma_wait3A_209 = arith.constant 0 : i32
      %dma_wait3A_210 = tpu.memref_slice %arg9[%dma_wait3A_208, %dma_wait3A_209] : memref<1024x32xf32, #tpu.memory_space<vmem>> -> memref<128x32xf32, #tpu.memory_space<vmem>>
      %dma_wait3A_211 = arith.constant 512 : i32
      %dma_wait3A_212 = tpu.memref_slice %arg7[%dma_wait3A_211] : memref<1024xi32, #tpu.memory_space<vmem>> -> memref<128xi32, #tpu.memory_space<vmem>>
      %dma_wait3A_213 = arith.constant 0 : i32
      %dma_wait3A_214 = arith.constant 0 : i32
      %dma_wait3A_215 = tpu.memref_slice %arg3[%dma_wait3A_213, %dma_wait3A_214] : memref<2600000x32xf32, #tpu.memory_space<hbm>> -> memref<2600000x32xf32, #tpu.memory_space<hbm>>
      tpu.wait_indirect_dma semaphore(%arg12 : memref<!tpu.dma_semaphore, #tpu.memory_space<semaphore_mem>>) src(%dma_wait3A_215 : memref<2600000x32xf32, #tpu.memory_space<hbm>>) dst(%dma_wait3A_210 : memref<128x32xf32, #tpu.memory_space<vmem>>)
      %dma_wait3A_216 = arith.constant 512 : i32
      %dma_wait3A_217 = arith.constant 0 : i32
      %dma_wait3A_218 = tpu.memref_slice %arg10[%dma_wait3A_216, %dma_wait3A_217] : memref<1024x16xf32, #tpu.memory_space<vmem>> -> memref<128x16xf32, #tpu.memory_space<vmem>>
      %dma_wait3A_219 = arith.constant 512 : i32
      %dma_wait3A_220 = tpu.memref_slice %arg8[%dma_wait3A_219] : memref<1024xi32, #tpu.memory_space<vmem>> -> memref<128xi32, #tpu.memory_space<vmem>>
      %dma_wait3A_221 = arith.constant 0 : i32
      %dma_wait3A_222 = arith.constant 0 : i32
      %dma_wait3A_223 = tpu.memref_slice %arg4[%dma_wait3A_221, %dma_wait3A_222] : memref<162500x16xf32, #tpu.memory_space<hbm>> -> memref<162500x16xf32, #tpu.memory_space<hbm>>
      tpu.wait_indirect_dma semaphore(%arg12 : memref<!tpu.dma_semaphore, #tpu.memory_space<semaphore_mem>>) src(%dma_wait3A_223 : memref<162500x16xf32, #tpu.memory_space<hbm>>) dst(%dma_wait3A_218 : memref<128x16xf32, #tpu.memory_space<vmem>>)
      %dma_wait3A_224 = arith.constant 640 : i32
      %dma_wait3A_225 = arith.constant 0 : i32
      %dma_wait3A_226 = tpu.memref_slice %arg9[%dma_wait3A_224, %dma_wait3A_225] : memref<1024x32xf32, #tpu.memory_space<vmem>> -> memref<128x32xf32, #tpu.memory_space<vmem>>
      %dma_wait3A_227 = arith.constant 640 : i32
      %dma_wait3A_228 = tpu.memref_slice %arg7[%dma_wait3A_227] : memref<1024xi32, #tpu.memory_space<vmem>> -> memref<128xi32, #tpu.memory_space<vmem>>
      %dma_wait3A_229 = arith.constant 0 : i32
      %dma_wait3A_230 = arith.constant 0 : i32
      %dma_wait3A_231 = tpu.memref_slice %arg3[%dma_wait3A_229, %dma_wait3A_230] : memref<2600000x32xf32, #tpu.memory_space<hbm>> -> memref<2600000x32xf32, #tpu.memory_space<hbm>>
      tpu.wait_indirect_dma semaphore(%arg12 : memref<!tpu.dma_semaphore, #tpu.memory_space<semaphore_mem>>) src(%dma_wait3A_231 : memref<2600000x32xf32, #tpu.memory_space<hbm>>) dst(%dma_wait3A_226 : memref<128x32xf32, #tpu.memory_space<vmem>>)
      %dma_wait3A_232 = arith.constant 640 : i32
      %dma_wait3A_233 = arith.constant 0 : i32
      %dma_wait3A_234 = tpu.memref_slice %arg10[%dma_wait3A_232, %dma_wait3A_233] : memref<1024x16xf32, #tpu.memory_space<vmem>> -> memref<128x16xf32, #tpu.memory_space<vmem>>
      %dma_wait3A_235 = arith.constant 640 : i32
      %dma_wait3A_236 = tpu.memref_slice %arg8[%dma_wait3A_235] : memref<1024xi32, #tpu.memory_space<vmem>> -> memref<128xi32, #tpu.memory_space<vmem>>
      %dma_wait3A_237 = arith.constant 0 : i32
      %dma_wait3A_238 = arith.constant 0 : i32
      %dma_wait3A_239 = tpu.memref_slice %arg4[%dma_wait3A_237, %dma_wait3A_238] : memref<162500x16xf32, #tpu.memory_space<hbm>> -> memref<162500x16xf32, #tpu.memory_space<hbm>>
      tpu.wait_indirect_dma semaphore(%arg12 : memref<!tpu.dma_semaphore, #tpu.memory_space<semaphore_mem>>) src(%dma_wait3A_239 : memref<162500x16xf32, #tpu.memory_space<hbm>>) dst(%dma_wait3A_234 : memref<128x16xf32, #tpu.memory_space<vmem>>)
      %dma_wait3A_240 = arith.constant 768 : i32
      %dma_wait3A_241 = arith.constant 0 : i32
      %dma_wait3A_242 = tpu.memref_slice %arg9[%dma_wait3A_240, %dma_wait3A_241] : memref<1024x32xf32, #tpu.memory_space<vmem>> -> memref<128x32xf32, #tpu.memory_space<vmem>>
      %dma_wait3A_243 = arith.constant 768 : i32
      %dma_wait3A_244 = tpu.memref_slice %arg7[%dma_wait3A_243] : memref<1024xi32, #tpu.memory_space<vmem>> -> memref<128xi32, #tpu.memory_space<vmem>>
      %dma_wait3A_245 = arith.constant 0 : i32
      %dma_wait3A_246 = arith.constant 0 : i32
      %dma_wait3A_247 = tpu.memref_slice %arg3[%dma_wait3A_245, %dma_wait3A_246] : memref<2600000x32xf32, #tpu.memory_space<hbm>> -> memref<2600000x32xf32, #tpu.memory_space<hbm>>
      tpu.wait_indirect_dma semaphore(%arg12 : memref<!tpu.dma_semaphore, #tpu.memory_space<semaphore_mem>>) src(%dma_wait3A_247 : memref<2600000x32xf32, #tpu.memory_space<hbm>>) dst(%dma_wait3A_242 : memref<128x32xf32, #tpu.memory_space<vmem>>)
      %dma_wait3A_248 = arith.constant 768 : i32
      %dma_wait3A_249 = arith.constant 0 : i32
      %dma_wait3A_250 = tpu.memref_slice %arg10[%dma_wait3A_248, %dma_wait3A_249] : memref<1024x16xf32, #tpu.memory_space<vmem>> -> memref<128x16xf32, #tpu.memory_space<vmem>>
      %dma_wait3A_251 = arith.constant 768 : i32
      %dma_wait3A_252 = tpu.memref_slice %arg8[%dma_wait3A_251] : memref<1024xi32, #tpu.memory_space<vmem>> -> memref<128xi32, #tpu.memory_space<vmem>>
      %dma_wait3A_253 = arith.constant 0 : i32
      %dma_wait3A_254 = arith.constant 0 : i32
      %dma_wait3A_255 = tpu.memref_slice %arg4[%dma_wait3A_253, %dma_wait3A_254] : memref<162500x16xf32, #tpu.memory_space<hbm>> -> memref<162500x16xf32, #tpu.memory_space<hbm>>
      tpu.wait_indirect_dma semaphore(%arg12 : memref<!tpu.dma_semaphore, #tpu.memory_space<semaphore_mem>>) src(%dma_wait3A_255 : memref<162500x16xf32, #tpu.memory_space<hbm>>) dst(%dma_wait3A_250 : memref<128x16xf32, #tpu.memory_space<vmem>>)
      %dma_wait3A_256 = arith.constant 896 : i32
      %dma_wait3A_257 = arith.constant 0 : i32
      %dma_wait3A_258 = tpu.memref_slice %arg9[%dma_wait3A_256, %dma_wait3A_257] : memref<1024x32xf32, #tpu.memory_space<vmem>> -> memref<128x32xf32, #tpu.memory_space<vmem>>
      %dma_wait3A_259 = arith.constant 896 : i32
      %dma_wait3A_260 = tpu.memref_slice %arg7[%dma_wait3A_259] : memref<1024xi32, #tpu.memory_space<vmem>> -> memref<128xi32, #tpu.memory_space<vmem>>
      %dma_wait3A_261 = arith.constant 0 : i32
      %dma_wait3A_262 = arith.constant 0 : i32
      %dma_wait3A_263 = tpu.memref_slice %arg3[%dma_wait3A_261, %dma_wait3A_262] : memref<2600000x32xf32, #tpu.memory_space<hbm>> -> memref<2600000x32xf32, #tpu.memory_space<hbm>>
      tpu.wait_indirect_dma semaphore(%arg12 : memref<!tpu.dma_semaphore, #tpu.memory_space<semaphore_mem>>) src(%dma_wait3A_263 : memref<2600000x32xf32, #tpu.memory_space<hbm>>) dst(%dma_wait3A_258 : memref<128x32xf32, #tpu.memory_space<vmem>>)
      %dma_wait3A_264 = arith.constant 896 : i32
      %dma_wait3A_265 = arith.constant 0 : i32
      %dma_wait3A_266 = tpu.memref_slice %arg10[%dma_wait3A_264, %dma_wait3A_265] : memref<1024x16xf32, #tpu.memory_space<vmem>> -> memref<128x16xf32, #tpu.memory_space<vmem>>
      %dma_wait3A_267 = arith.constant 896 : i32
      %dma_wait3A_268 = tpu.memref_slice %arg8[%dma_wait3A_267] : memref<1024xi32, #tpu.memory_space<vmem>> -> memref<128xi32, #tpu.memory_space<vmem>>
      %dma_wait3A_269 = arith.constant 0 : i32
      %dma_wait3A_270 = arith.constant 0 : i32
      %dma_wait3A_271 = tpu.memref_slice %arg4[%dma_wait3A_269, %dma_wait3A_270] : memref<162500x16xf32, #tpu.memory_space<hbm>> -> memref<162500x16xf32, #tpu.memory_space<hbm>>
      tpu.wait_indirect_dma semaphore(%arg12 : memref<!tpu.dma_semaphore, #tpu.memory_space<semaphore_mem>>) src(%dma_wait3A_271 : memref<162500x16xf32, #tpu.memory_space<hbm>>) dst(%dma_wait3A_266 : memref<128x16xf32, #tpu.memory_space<vmem>>)
      %scan3A_272 = arith.constant 0 : i32
      %scan3A_273 = arith.constant 0 : i32
      %scan3A_274 = arith.constant 64 : i32
      %scan3A_275 = arith.addi %scan3A_273, %scan3A_274 : i32
      %scan3A_276 = arith.constant 1 : i32
      scf.for %scan3A_278 = %scan3A_273 to %scan3A_275 step %scan3A_276  : i32 {
        %mul3A_279 = arith.constant 16 : i32
        %mul3A_280 = arith.muli %scan3A_278, %mul3A_279 : i32
        %get3A = arith.index_cast %mul3A_280 : i32 to index
        %get3A_281 = tpu.vector_load %arg7[%get3A] {strides = array<i32>} : memref<1024xi32, #tpu.memory_space<vmem>>, vector<16xi32>,
        %broadcast_in_dim3A = arith.constant 15 : i32
        %broadcast_in_dim3A_282 = vector.broadcast %broadcast_in_dim3A : i32 to vector<16xi32>
        %and3A = arith.andi %get3A_281, %broadcast_in_dim3A_282 : vector<16xi32>
        %mul3A_283 = arith.constant 16 : i32
        %mul3A_284 = arith.muli %scan3A_278, %mul3A_283 : i32
        %iota3A = tpu.iota {dimensions = array<i32: 0>} : vector<16xi32>
        %add3A_285 = vector.broadcast %mul3A_284 : i32 to vector<16xi32>
        %add3A_286 = arith.addi %add3A_285, %iota3A : vector<16xi32>
        %gather3A = tpu.vector_load_idx %arg10[%add3A_286, %and3A] : memref<1024x16xf32, #tpu.memory_space<vmem>>[vector<16xi32>, vector<16xi32>], vector<16xf32>,
        %mul3A_287 = arith.constant 16 : i32
        %mul3A_288 = arith.muli %scan3A_278, %mul3A_287 : i32
        %swap3A = arith.index_cast %mul3A_288 : i32 to index
        %swap3A_289 = tpu.vector_load %arg11[%swap3A] {strides = array<i32>} : memref<1024xf32, #tpu.memory_space<vmem>>, vector<16xf32>,
        tpu.vector_store %arg11[%swap3A], %gather3A {strides = array<i32>} : memref<1024xf32, #tpu.memory_space<vmem>>, vector<16xf32>,
      }
      %scan3A_277 = arith.constant 64 : i32
      "tpu.region"() ({
        %run_scoped3A = tpu.sem_alloc : memref<!tpu.dma_semaphore, #tpu.memory_space<semaphore_mem>>
        %dma_start3A_278 = arith.constant 0 : i32
        %dma_start3A_279 = tpu.memref_slice %arg5[%add3A_11, %dma_start3A_278] : memref<425984x32xf32, #tpu.memory_space<hbm>> -> memref<1024x32xf32, #tpu.memory_space<hbm>>
        %dma_start3A_280 = arith.constant 0 : i32
        %dma_start3A_281 = tpu.memref_slice %arg5[%add3A_11, %dma_start3A_280] : memref<425984x32xf32, #tpu.memory_space<hbm>> -> memref<1024x32xf32, #tpu.memory_space<hbm>>
        tpu.enqueue_dma source(%arg9 : memref<1024x32xf32, #tpu.memory_space<vmem>>) target(%dma_start3A_281 : memref<1024x32xf32, #tpu.memory_space<hbm>>) target_semaphore(%run_scoped3A : memref<!tpu.dma_semaphore, #tpu.memory_space<semaphore_mem>>)
        %dma_wait3A_282 = arith.constant 0 : i32
        %dma_wait3A_283 = tpu.memref_slice %arg5[%add3A_11, %dma_wait3A_282] : memref<425984x32xf32, #tpu.memory_space<hbm>> -> memref<1024x32xf32, #tpu.memory_space<hbm>>
        %dma_wait3A_284 = arith.constant 0 : i32
        %dma_wait3A_285 = tpu.memref_slice %arg5[%add3A_11, %dma_wait3A_284] : memref<425984x32xf32, #tpu.memory_space<hbm>> -> memref<1024x32xf32, #tpu.memory_space<hbm>>
        tpu.wait_dma2 semaphore(%run_scoped3A : memref<!tpu.dma_semaphore, #tpu.memory_space<semaphore_mem>>) src(%arg9 : memref<1024x32xf32, #tpu.memory_space<vmem>>) dst(%dma_wait3A_285 : memref<1024x32xf32, #tpu.memory_space<hbm>>)
        tpu.yield
      }) : () -> ()
      "tpu.region"() ({
        %run_scoped3A = tpu.sem_alloc : memref<!tpu.dma_semaphore, #tpu.memory_space<semaphore_mem>>
        %dma_start3A_278 = tpu.memref_slice %arg6[%add3A_11] : memref<425984xf32, #tpu.memory_space<hbm>> -> memref<1024xf32, #tpu.memory_space<hbm>>
        %dma_start3A_279 = tpu.memref_slice %arg6[%add3A_11] : memref<425984xf32, #tpu.memory_space<hbm>> -> memref<1024xf32, #tpu.memory_space<hbm>>
        tpu.enqueue_dma source(%arg11 : memref<1024xf32, #tpu.memory_space<vmem>>) target(%dma_start3A_279 : memref<1024xf32, #tpu.memory_space<hbm>>) target_semaphore(%run_scoped3A : memref<!tpu.dma_semaphore, #tpu.memory_space<semaphore_mem>>)
        %dma_wait3A_280 = tpu.memref_slice %arg6[%add3A_11] : memref<425984xf32, #tpu.memory_space<hbm>> -> memref<1024xf32, #tpu.memory_space<hbm>>
        %dma_wait3A_281 = tpu.memref_slice %arg6[%add3A_11] : memref<425984xf32, #tpu.memory_space<hbm>> -> memref<1024xf32, #tpu.memory_space<hbm>>
        tpu.wait_dma2 semaphore(%run_scoped3A : memref<!tpu.dma_semaphore, #tpu.memory_space<semaphore_mem>>) src(%arg11 : memref<1024xf32, #tpu.memory_space<vmem>>) dst(%dma_wait3A_281 : memref<1024xf32, #tpu.memory_space<hbm>>)
        tpu.yield
      }) : () -> ()
    }
    %scan3A_7 = arith.constant 13 : i32
    return
  }
}

module attributes {stable_mosaic.version = 14 : i64} {
  func.func @_tc_body(%arg0: i32, %arg1: memref<1024x832xf32, #tpu.memory_space<vmem>>, %arg2: memref<1024x26xf32, #tpu.memory_space<vmem>>, %arg3: memref<1x1xf32, #tpu.memory_space<smem>>, %arg4: memref<832x256xf32, #tpu.memory_space<vmem>>, %arg5: memref<1x256xf32, #tpu.memory_space<vmem>>, %arg6: memref<256x128xf32, #tpu.memory_space<vmem>>, %arg7: memref<1x128xf32, #tpu.memory_space<vmem>>, %arg8: memref<128x64xf32, #tpu.memory_space<vmem>>, %arg9: memref<1x64xf32, #tpu.memory_space<vmem>>, %arg10: memref<64x1xf32, #tpu.memory_space<vmem>>, %arg11: memref<832x32xf32, #tpu.memory_space<vmem>>, %arg12: memref<1024xf32, #tpu.memory_space<vmem>>) attributes {dimension_semantics = [#tpu.dimension_semantics<arbitrary>], iteration_bounds = array<i64: 16>, scalar_prefetch = 0 : i64, scratch_operands = 0 : i64, tpu.core_type = #tpu.core_type<tc>, window_params = [{transform_indices = @transform_0, window_bounds = array<i64: 1024, 832>}, {transform_indices = @transform_1, window_bounds = array<i64: 1024, 26>}, {transform_indices = @transform_2, window_bounds = array<i64: 1, 1>}, {pipeline_mode = #tpu.pipeline_mode<synchronous>, transform_indices = @transform_3, window_bounds = array<i64: 832, 256>}, {pipeline_mode = #tpu.pipeline_mode<synchronous>, transform_indices = @transform_4, window_bounds = array<i64: 1, 256>}, {pipeline_mode = #tpu.pipeline_mode<synchronous>, transform_indices = @transform_5, window_bounds = array<i64: 256, 128>}, {pipeline_mode = #tpu.pipeline_mode<synchronous>, transform_indices = @transform_6, window_bounds = array<i64: 1, 128>}, {pipeline_mode = #tpu.pipeline_mode<synchronous>, transform_indices = @transform_7, window_bounds = array<i64: 128, 64>}, {pipeline_mode = #tpu.pipeline_mode<synchronous>, transform_indices = @transform_8, window_bounds = array<i64: 1, 64>}, {pipeline_mode = #tpu.pipeline_mode<synchronous>, transform_indices = @transform_9, window_bounds = array<i64: 64, 1>}, {pipeline_mode = #tpu.pipeline_mode<synchronous>, transform_indices = @transform_10, window_bounds = array<i64: 832, 32>}, {transform_indices = @transform_11, window_bounds = array<i64: 1024>}]} {
    %get3A = arith.constant 0 : index
    %get3A_0 = arith.constant 0 : index
    %get3A_1 = vector.load %arg1[%get3A, %get3A_0] : memref<1024x832xf32, #tpu.memory_space<vmem>>, vector<1024x832xf32>
    %get3A_2 = arith.constant 0 : index
    %get3A_3 = arith.constant 0 : index
    %get3A_4 = vector.load %arg4[%get3A_2, %get3A_3] : memref<832x256xf32, #tpu.memory_space<vmem>>, vector<832x256xf32>
    %dot_general3A = arith.constant dense<0.000000e+00> : vector<1024x256xf32>
    %dot_general3A_5 = tpu.matmul %get3A_1, %get3A_4, %dot_general3A {dimension_numbers = #tpu.dot_dimension_numbers<[1], [0], [0], [1], [0, 0, 1, 1], [], []>, transpose_lhs_hint = false} : vector<1024x832xf32>, vector<832x256xf32>, vector<1024x256xf32> -> vector<1024x256xf32>
    %get3A_6 = arith.constant 0 : index
    %get3A_7 = arith.constant 0 : index
    %get3A_8 = vector.load %arg5[%get3A_6, %get3A_7] : memref<1x256xf32, #tpu.memory_space<vmem>>, vector<1x256xf32>
    %add3A = vector.broadcast %get3A_8 : vector<1x256xf32> to vector<1024x256xf32>
    %add3A_9 = arith.addf %dot_general3A_5, %add3A : vector<1024x256xf32>
    %max3A = arith.constant 0.000000e+00 : f32
    %max3A_10 = vector.broadcast %max3A : f32 to vector<1024x256xf32>
    %max3A_11 = arith.maximumf %add3A_9, %max3A_10 : vector<1024x256xf32>
    %get3A_12 = arith.constant 0 : index
    %get3A_13 = arith.constant 0 : index
    %get3A_14 = vector.load %arg6[%get3A_12, %get3A_13] : memref<256x128xf32, #tpu.memory_space<vmem>>, vector<256x128xf32>
    %dot_general3A_15 = arith.constant dense<0.000000e+00> : vector<1024x128xf32>
    %dot_general3A_16 = tpu.matmul %max3A_11, %get3A_14, %dot_general3A_15 {dimension_numbers = #tpu.dot_dimension_numbers<[1], [0], [0], [1], [0, 0, 1, 1], [], []>, transpose_lhs_hint = false} : vector<1024x256xf32>, vector<256x128xf32>, vector<1024x128xf32> -> vector<1024x128xf32>
    %get3A_17 = arith.constant 0 : index
    %get3A_18 = arith.constant 0 : index
    %get3A_19 = vector.load %arg7[%get3A_17, %get3A_18] : memref<1x128xf32, #tpu.memory_space<vmem>>, vector<1x128xf32>
    %add3A_20 = vector.broadcast %get3A_19 : vector<1x128xf32> to vector<1024x128xf32>
    %add3A_21 = arith.addf %dot_general3A_16, %add3A_20 : vector<1024x128xf32>
    %max3A_22 = arith.constant 0.000000e+00 : f32
    %max3A_23 = vector.broadcast %max3A_22 : f32 to vector<1024x128xf32>
    %max3A_24 = arith.maximumf %add3A_21, %max3A_23 : vector<1024x128xf32>
    %get3A_25 = arith.constant 0 : index
    %get3A_26 = arith.constant 0 : index
    %get3A_27 = vector.load %arg8[%get3A_25, %get3A_26] : memref<128x64xf32, #tpu.memory_space<vmem>>, vector<128x64xf32>
    %dot_general3A_28 = arith.constant dense<0.000000e+00> : vector<1024x64xf32>
    %dot_general3A_29 = tpu.matmul %max3A_24, %get3A_27, %dot_general3A_28 {dimension_numbers = #tpu.dot_dimension_numbers<[1], [0], [0], [1], [0, 0, 1, 1], [], []>, transpose_lhs_hint = false} : vector<1024x128xf32>, vector<128x64xf32>, vector<1024x64xf32> -> vector<1024x64xf32>
    %get3A_30 = arith.constant 0 : index
    %get3A_31 = arith.constant 0 : index
    %get3A_32 = vector.load %arg9[%get3A_30, %get3A_31] : memref<1x64xf32, #tpu.memory_space<vmem>>, vector<1x64xf32>
    %add3A_33 = vector.broadcast %get3A_32 : vector<1x64xf32> to vector<1024x64xf32>
    %add3A_34 = arith.addf %dot_general3A_29, %add3A_33 : vector<1024x64xf32>
    %max3A_35 = arith.constant 0.000000e+00 : f32
    %max3A_36 = vector.broadcast %max3A_35 : f32 to vector<1024x64xf32>
    %max3A_37 = arith.maximumf %add3A_34, %max3A_36 : vector<1024x64xf32>
    %get3A_38 = arith.constant 0 : index
    %get3A_39 = arith.constant 0 : index
    %get3A_40 = vector.load %arg10[%get3A_38, %get3A_39] : memref<64x1xf32, #tpu.memory_space<vmem>>, vector<64x1xf32>
    %dot_general3A_41 = arith.constant dense<0.000000e+00> : vector<1024x1xf32>
    %dot_general3A_42 = tpu.matmul %max3A_37, %get3A_40, %dot_general3A_41 {dimension_numbers = #tpu.dot_dimension_numbers<[1], [0], [0], [1], [0, 0, 1, 1], [], []>, transpose_lhs_hint = false} : vector<1024x64xf32>, vector<64x1xf32>, vector<1024x1xf32> -> vector<1024x1xf32>
    %squeeze3A = vector.shape_cast %dot_general3A_42 : vector<1024x1xf32> to vector<1024xf32>
    %get3A_43 = arith.constant 0 : index
    %get3A_44 = arith.constant 0 : index
    %get3A_45 = vector.load %arg11[%get3A_43, %get3A_44] : memref<832x32xf32, #tpu.memory_space<vmem>>, vector<832x32xf32>
    %dot_general3A_46 = arith.constant dense<0.000000e+00> : vector<1024x32xf32>
    %dot_general3A_47 = tpu.matmul %get3A_1, %get3A_45, %dot_general3A_46 {dimension_numbers = #tpu.dot_dimension_numbers<[1], [0], [0], [1], [0, 0, 1, 1], [], []>, transpose_lhs_hint = false} : vector<1024x832xf32>, vector<832x32xf32>, vector<1024x32xf32> -> vector<1024x32xf32>
    %mul3A = arith.mulf %dot_general3A_47, %dot_general3A_47 : vector<1024x32xf32>
    %reduce_sum3A = arith.constant dense<0.000000e+00> : vector<1024xf32>
    %reduce_sum3A_48 = vector.multi_reduction <add>, %mul3A, %reduce_sum3A [1] : vector<1024x32xf32> to vector<1024xf32>
    %mul3A_49 = arith.mulf %get3A_1, %get3A_1 : vector<1024x832xf32>
    %reduce_sum3A_50 = arith.constant dense<0.000000e+00> : vector<1024xf32>
    %reduce_sum3A_51 = vector.multi_reduction <add>, %mul3A_49, %reduce_sum3A_50 [1] : vector<1024x832xf32> to vector<1024xf32>
    %sub3A = arith.subf %reduce_sum3A_48, %reduce_sum3A_51 : vector<1024xf32>
    %mul3A_52 = arith.constant 5.000000e-01 : f32
    %mul3A_53 = vector.broadcast %mul3A_52 : f32 to vector<1024xf32>
    %mul3A_54 = arith.mulf %mul3A_53, %sub3A : vector<1024xf32>
    %get3A_55 = arith.constant 0 : index
    %get3A_56 = arith.constant 0 : index
    %get3A_57 = vector.load %arg2[%get3A_55, %get3A_56] : memref<1024x26xf32, #tpu.memory_space<vmem>>, vector<1024x26xf32>
    %reduce_sum3A_58 = arith.constant dense<0.000000e+00> : vector<1024xf32>
    %reduce_sum3A_59 = vector.multi_reduction <add>, %get3A_57, %reduce_sum3A_58 [1] : vector<1024x26xf32> to vector<1024xf32>
    %get3A_60 = arith.constant 0 : index
    %get3A_61 = arith.constant 0 : index
    %get3A_62 = memref.load %arg3[%get3A_60, %get3A_61] : memref<1x1xf32, #tpu.memory_space<smem>>
    %add3A_63 = vector.broadcast %get3A_62 : f32 to vector<1024xf32>
    %add3A_64 = arith.addf %add3A_63, %reduce_sum3A_59 : vector<1024xf32>
    %add3A_65 = arith.addf %add3A_64, %mul3A_54 : vector<1024xf32>
    %add3A_66 = arith.addf %add3A_65, %squeeze3A : vector<1024xf32>
    %swap3A = arith.constant 0 : index
    %swap3A_67 = vector.load %arg12[%swap3A] : memref<1024xf32, #tpu.memory_space<vmem>>, vector<1024xf32>
    tpu.vector_store %arg12[%swap3A], %add3A_66 {strides = array<i32>} : memref<1024xf32, #tpu.memory_space<vmem>>, vector<1024xf32>,
    return
  }
  func.func @transform_0(%arg0: i32) -> (i32, i32) {
    %c0_i32 = arith.constant 0 : i32
    %c0_i32_0 = arith.constant 0 : i32
    return %arg0, %c0_i32 : i32, i32
  }
  func.func @transform_1(%arg0: i32) -> (i32, i32) {
    %c0_i32 = arith.constant 0 : i32
    %c0_i32_0 = arith.constant 0 : i32
    return %arg0, %c0_i32 : i32, i32
  }
  func.func @transform_2(%arg0: i32) -> (i32, i32) {
    %c0_i32 = arith.constant 0 : i32
    %c0_i32_0 = arith.constant 0 : i32
    %c0_i32_1 = arith.constant 0 : i32
    return %c0_i32, %c0_i32_0 : i32, i32
  }
  func.func @transform_3(%arg0: i32) -> (i32, i32) {
    %c0_i32 = arith.constant 0 : i32
    %c0_i32_0 = arith.constant 0 : i32
    %c0_i32_1 = arith.constant 0 : i32
    return %c0_i32, %c0_i32_0 : i32, i32
  }
  func.func @transform_4(%arg0: i32) -> (i32, i32) {
    %c0_i32 = arith.constant 0 : i32
    %c0_i32_0 = arith.constant 0 : i32
    %c0_i32_1 = arith.constant 0 : i32
    return %c0_i32, %c0_i32_0 : i32, i32
  }
  func.func @transform_5(%arg0: i32) -> (i32, i32) {
    %c0_i32 = arith.constant 0 : i32
    %c0_i32_0 = arith.constant 0 : i32
    %c0_i32_1 = arith.constant 0 : i32
    return %c0_i32, %c0_i32_0 : i32, i32
  }
  func.func @transform_6(%arg0: i32) -> (i32, i32) {
    %c0_i32 = arith.constant 0 : i32
    %c0_i32_0 = arith.constant 0 : i32
    %c0_i32_1 = arith.constant 0 : i32
    return %c0_i32, %c0_i32_0 : i32, i32
  }
  func.func @transform_7(%arg0: i32) -> (i32, i32) {
    %c0_i32 = arith.constant 0 : i32
    %c0_i32_0 = arith.constant 0 : i32
    %c0_i32_1 = arith.constant 0 : i32
    return %c0_i32, %c0_i32_0 : i32, i32
  }
  func.func @transform_8(%arg0: i32) -> (i32, i32) {
    %c0_i32 = arith.constant 0 : i32
    %c0_i32_0 = arith.constant 0 : i32
    %c0_i32_1 = arith.constant 0 : i32
    return %c0_i32, %c0_i32_0 : i32, i32
  }
  func.func @transform_9(%arg0: i32) -> (i32, i32) {
    %c0_i32 = arith.constant 0 : i32
    %c0_i32_0 = arith.constant 0 : i32
    %c0_i32_1 = arith.constant 0 : i32
    return %c0_i32, %c0_i32_0 : i32, i32
  }
  func.func @transform_10(%arg0: i32) -> (i32, i32) {
    %c0_i32 = arith.constant 0 : i32
    %c0_i32_0 = arith.constant 0 : i32
    %c0_i32_1 = arith.constant 0 : i32
    return %c0_i32, %c0_i32_0 : i32, i32
  }
  func.func @transform_11(%arg0: i32) -> i32 {
    %c0_i32 = arith.constant 0 : i32
    return %arg0 : i32
  }
}

</mosaic_0001>

<sc_bundles>
// kernel: kernel.4.cloned.1.call-start
scs
__scs_entry_jumppad:
0x0: {  	(pc) =	sbr.rel $0x88, $3  }
0x1: {  	(tag) =	ssettag $0x0;
	lr =	simm.s32 $0x1  }
0x2: {  	[smem:$0x3F95] =	sst lr;
	_ =	strace $0xD0000000  }
0x3: {  	_ = 	snop  }
0x4: {  	_ = 	snop  }
0x5: {  	_ = 	snop  }
0x6: {  	_ = 	snop  }
0x7: {  	_ = 	snop  }
__scs_overlays_trampoline_lowered:
0x8: {  	[smem:$0x3FA4] =	sst s0  }
0x9: {  	[smem:$0x3FA5] =	sst s1  }
0xa: {  	[smem:$0x3FA6] =	sst s2  }
0xb: {  	[smem:$0x3FA7] =	sst s3  }
0xc: {  	[smem:$0x3FA8] =	sst s4  }
0xd: {  	[smem:$0x3FA9] =	sst s5  }
0xe: {  	[smem:$0x3FAA] =	sst s6  }
0xf: {  	[smem:$0x3FAB] =	sst s7  }
0x10: {  	[smem:$0x3FAC] =	sst s8  }
0x11: {  	[smem:$0x3FAD] =	sst s9;
	s0 =	simm.s32 @!p0 $0x0  }
0x12: {  	s1 =	sld [smem:$0x3F93];
	s0 =	simm.s32 @p0 $0x1  }
0x13: {  	[smem:$0x3FAE] =	sst s0;
	s0 =	simm.s32 @!p1 $0x0  }
0x14: {  	s2 =	sld [smem:$0x3F92];
	s0 =	simm.s32 @p1 $0x1  }
0x15: {  	[smem:$0x3FAF] =	sst s0;
	s0 =	simm.s32 @!p2 $0x0  }
0x16: {  	s3 =	sld [smem:$0x3FDB];
	s0 =	simm.s32 @p2 $0x1  }
0x17: {  	s4 =	simm.s32 $0x1BF5;
	[smem:$0x3FB1] =	sst s0  }
0x18: {  	s0 =	sld [smem:$0x3F94];
	_ =	swait.ge [sflag:s4], $0x0  }
0x19: {  	s7 =	sld [smem:$0x3F95]  }
0x1a: {  	s8 =	sadd.s32 $0xFFFFE003, lr  }
0x1b: {  	s9 =	sadd.s32 $0xFFFFFEF7, lr;
	s5 =	simm.s32 $0xFFFFFFFF;
	p2 =	slt.u32 s8, $0xFFFFF086  }
0x1c: {  	p1 =	slt.u32 s9, $0xF7A;
	s5 =	simm.s32 @!p2 $0x0  }
0x1d: {  	s5 =	simm.s32 @p1 $0x1;
	p0 =	seq.s32 s7, s2  }
0x1e: {  	s7 =	smul.u32 @!p0 $0xF7A, s2;
	p2 =	seq.s32 @!p0 s5, $0x0  }
0x1f: {  	s9 =	smul.u32 $0xF7A, s1;
	s8 =	simm.s32 @!p0 $0x1BF5;
	p2 =	por !p2, p0  }
0x20: {  	[sflag:s8] =	ssyncset.s32 @!p0 $0xFFFFF086;
	s6 =	sadd.s32 @!p0 s3, s7;
	s7 =	simm.s32 @!p0 $0x108  }
0x21: {  	s3 =	sadd.s32 s3, s9;
	s6 =	sadd.s32 @!p0 $0x88, s6;
	s7 =	simm.s32 @p2 $0x1082  }
0x22: {  	[simem:s7], [sflag:s8] =	dma.local @!p0 [hbm:s6], $0xF7A  }
0x23: {  	s9 =	sor.u32 $0xD0000000, s2;
	s6 =	simm.s32 $0x108;
	_ =	swait.ge @!p0 [sflag:s8], $0x0  }
0x24: {  	s3 =	sadd.s32 $0x88, s3;
	s6 =	simm.s32 @!p1 $0x1082;
	[sflag:s4] =	ssyncset.s32 $0xFFFFF086  }
0x25: {  	[simem:s6], [sflag:s4] =	dma.local [hbm:s3], $0xF7A  }
0x26: {  	[smem:$0x3F95] =	sst s1;
	(tag) =	ssettag s2;
	_ =	strace s9  }
0x27: {  	s1 =	sld [smem:$0x3FA5]  }
0x28: {  	s2 =	sld [smem:$0x3FA6]  }
0x29: {  	s4 =	sld [smem:$0x3FA8]  }
0x2a: {  	p0 =	seq.s32 s5, $0x0;
	s5 =	sld [smem:$0x3FA9]  }
0x2b: {  	s6 =	sld [smem:$0x3FAA]  }
0x2c: {  	s7 =	sld [smem:$0x3FAB]  }
0x2d: {  	s3 =	simm.s32 $0x108;
	s8 =	sld [smem:$0x3FAC]  }
0x2e: {  	s3 =	simm.s32 @!p0 $0x1082;
	s9 =	sld [smem:$0x3FAD]  }
0x2f: {  	lr =	sadd.s32 s0, s3;
	s0 =	sld [smem:$0x3FA4]  }
0x30: {  	s3 =	sld [smem:$0x3FA7]  }
0x31: {  	[smem:$0x3FB0] =	sst s10  }
0x32: {  	s10 =	sld [smem:$0x3FAE];
	_ =	sdelay $0x3  }
0x33: {  	p0 =	seq.s32 s10, $0x1;
	s10 =	sld [smem:$0x3FB0];
	_ =	sdelay $0x3  }
0x34: {  	[smem:$0x3FB0] =	sst s10  }
0x35: {  	s10 =	sld [smem:$0x3FAF];
	_ =	sdelay $0x3  }
0x36: {  	p1 =	seq.s32 s10, $0x1;
	s10 =	sld [smem:$0x3FB0];
	_ =	sdelay $0x3  }
0x37: {  	[smem:$0x3FB0] =	sst s10  }
0x38: {  	s10 =	sld [smem:$0x3FB1]  }
0x39: {  	_ = 	snop;
	(pc) =	sbr.ind lr, $3  }
0x3a: {  	_ = 	snop  }
0x3b: {  	_ = 	snop  }
0x3c: {  	p2 =	seq.s32 s10, $0x1;
	s10 =	sld [smem:$0x3FB0]  }
0x3d: {  	_ =	shalt  }
0x3e: {  	_ =	shalt  }
0x3f: {  	_ =	shalt  }
0x40: {  	_ =	shalt  }
0x41: {  	_ =	shalt  }
0x42: {  	_ =	shalt  }
0x43: {  	_ =	shalt  }
0x44: {  	_ =	shalt  }
0x45: {  	_ =	shalt  }
0x46: {  	_ =	shalt  }
0x47: {  	_ =	shalt  }
0x48: {  	_ =	shalt  }
0x49: {  	_ =	shalt  }
0x4a: {  	_ =	shalt  }
0x4b: {  	_ =	shalt  }
0x4c: {  	_ =	shalt  }
0x4d: {  	_ =	shalt  }
0x4e: {  	_ =	shalt  }
0x4f: {  	_ =	shalt  }
0x50: {  	_ =	shalt  }
0x51: {  	_ =	shalt  }
0x52: {  	_ =	shalt  }
0x53: {  	_ =	shalt  }
0x54: {  	_ =	shalt  }
0x55: {  	_ =	shalt  }
0x56: {  	_ =	shalt  }
0x57: {  	_ =	shalt  }
0x58: {  	_ =	shalt  }
0x59: {  	_ =	shalt  }
0x5a: {  	_ =	shalt  }
0x5b: {  	_ =	shalt  }
0x5c: {  	_ =	shalt  }
0x5d: {  	_ =	shalt  }
0x5e: {  	_ =	shalt  }
0x5f: {  	_ =	shalt  }
0x60: {  	_ =	shalt  }
0x61: {  	_ =	shalt  }
0x62: {  	_ =	shalt  }
0x63: {  	_ =	shalt  }
0x64: {  	_ =	shalt  }
0x65: {  	_ =	shalt  }
0x66: {  	_ =	shalt  }
0x67: {  	_ =	shalt  }
0x68: {  	_ =	shalt  }
0x69: {  	_ =	shalt  }
0x6a: {  	_ =	shalt  }
0x6b: {  	_ =	shalt  }
0x6c: {  	_ =	shalt  }
0x6d: {  	_ =	shalt  }
0x6e: {  	_ =	shalt  }
0x6f: {  	_ =	shalt  }
0x70: {  	_ =	shalt  }
0x71: {  	_ =	shalt  }
0x72: {  	_ =	shalt  }
0x73: {  	_ =	shalt  }
0x74: {  	_ =	shalt  }
0x75: {  	_ =	shalt  }
0x76: {  	_ =	shalt  }
0x77: {  	_ =	shalt  }
0x78: {  	_ =	shalt  }
0x79: {  	_ =	shalt  }
0x7a: {  	_ =	shalt  }
0x7b: {  	_ =	shalt  }
0x7c: {  	_ =	shalt  }
0x7d: {  	_ =	shalt  }
0x7e: {  	_ =	shalt  }
0x7f: {  	_ =	shalt  }
0x80: {  	_ =	shalt  }
0x81: {  	_ =	shalt  }
0x82: {  	_ =	shalt  }
0x83: {  	_ =	shalt  }
0x84: {  	_ =	shalt  }
0x85: {  	_ =	shalt  }
0x86: {  	_ =	shalt  }
0x87: {  	_ =	shalt  }
.Lfunc_end0:
.L_simem_size_0:
called_computation_lowered:
.L_overlay_start_0:
0x88: {  	s2 =	sld [smem:$0x3FD9]  }
0x89: {  	s3 =	sld [smem:$0x3FFE];
	_ =	sdelay $0x1  }
0x8a: {  	s1 =	srdreg.scid  }
0x8b: {  	s0 =	sand.u32 $0x1, s1  }
0x8c: {  	s16 =	sshll.u32 s0, $0xA;
	s2 =	sadd.s32 s3, s2  }
0x8d: {  	s2 =	sadd.s32 s2, s16  }
0x8e: {  	[smem:$0x3FBC] =	sst s2  }
0x8f: {  	_ = 	snop  }
0x90: {  	(tm) =	ssettm $0x1  }
0x91: {  	s17 =	sld [smem:$0x3FFB];
	_ =	sdelay $0x3  }
0x92: {  	_ =	strace s17  }
0x93: {  	s2 =	sld [smem:$0x3FFC];
	_ =	sdelay $0x3  }
0x94: {  	_ =	strace s2  }
0x95: {  	s2 =	sld [smem:$0x3FFD];
	_ =	sdelay $0x3  }
0x96: {  	_ =	strace s2  }
0x97: {  	_ =	strace $0x8FFFFFFF  }
0x98: {  	s18 =	sld [smem:$0x3FDB];
	_ =	sdelay $0x1  }
0x99: {  	s19 =	simm.s32 $_scs_section_size  }
0x9a: {  	s4 =	simm.s32 $_size__tile_overlayer_lowered;
	s5 =	simm.s32 $_tile_overlayer_lowered  }
0x9b: {  	s22 =	simm.s32 $0x1BFF;
	s21 =	sshll.u32 s5, $0x1;
	s2 =	sadd.s32 s19, s18  }
0x9c: {  	s6 =	simm.s32 $0x0;
	s20 =	sshll.u32 s4, $0x1;
	s4 =	sadd.s32 s21, s2  }
0x9d: {  	[timem:s6], [sflag:s22] =	dma.local [hbm:s4], s20  }
0x9e: {  	_ =	swait.ge [sflag:s22], s20  }
0x9f: {  	s3 =	ssub.s32 $0x0, s20;
	[sflag:s22] =	ssyncset.done $0x0  }
0xa0: {  	[sflag:s22] =	ssyncadd.s32 s3;
	_ =	sdelay $0x1  }
0xa1: {  	s23 =	simm.s32 $0x1B8B  }
0xa2: {  	_ =	swait.ge [sflag:s23], $0x1  }
0xa3: {  	[sflag:s23] =	ssyncset.done $0x0  }
0xa4: {  	s25 =	simm.s32 $0x1B8E;
	s24 =	sld [smem:$0x3FFE];
	[sflag:s23] =	ssyncadd.s32 $0xFFFFFFFF  }
0xa5: {  	s26 =	simm.s32 $execute0_lowered;
	[smem:$0x3FD2] =	sst s25  }
0xa6: {  	s4 =	sshll.u32 s26, $0x1;
	_ =	strace $0x80000046;
	[dreg:$0x1] =	wrdreg $0xFFFFFFFF  }
0xa7: {  	s28 =	simm.s32 $_size_execute0_lowered;
	s2 =	sadd.s32 s2, s4;
	[dreg:$0x0] =	wrdreg $0x0  }
0xa8: {  	s4 =	sshll.u32 s28, $0x1;
	[dreg:$0x2] =	wrdreg s2  }
0xa9: {  	[dreg:$0x3] =	wrdreg s4  }
0xaa: {  	[dreg:$0x4] =	wrdreg $0xC0  }
0xab: {  	_ =	task [dreg:s6], $0x5FFFF  }
0xac: {  	[dreg:$0x1] =	wrdreg $0xFFFFFFFF  }
0xad: {  	[dreg:$0x0] =	wrdreg $0x60  }
0xae: {  	[dreg:$0x2] =	wrdreg s24  }
0xaf: {  	[dreg:$0x3] =	wrdreg $0x9  }
0xb0: {  	_ =	task.clear_ibuf [dreg:s6], $0x4FFFF;
	_ =	strace $0x90000046  }
0xb1: {  	s29 =	simm.s32 $0x9;
	_ =	strace $0x80000048  }
0xb2: {  	_ =	swait.ge [sflag:s29], $0x1  }
0xb3: {  	[sflag:s29] =	ssyncadd.s32 $0xFFFFFFFF  }
0xb4: {  	_ =	strace $0x90000048  }
0xb5: {  	_ =	sfence  }
0xb6: {  	s30 =	sld [smem:$0x0];
	_ =	sdelay $0x2  }
0xb7: {  	s31 =	sshll.u32 s1, $0xD;
	s1 =	sshrl.u32 s1, $0x2  }
0xb8: {  	s3 =	sand.u32 $0x4000, s31;
	s1 =	sadd.s32 s1, s30  }
0xb9: {  	s0 =	sor.u32 s3, s0;
	s1 =	sshll.u32 s1, $0x11  }
0xba: {  	s0 =	sor.u32 s1, s0  }
0xbb: {  	s0 =	sadd.s32 $0x8F2B, s0  }
0xbc: {  	[sflag:s0] =	ssyncadd.remote.s32 $0x1  }
0xbd: {  	_ =	sfence.sel $0xFFFF  }
0xbe: {  	[dreg:$0x0] =	wrdreg $0xFFFFFFFF;
	(pc) =	sbr.abs _section_cstart, $3  }
0xbf: {  	[dreg:$0x1] =	wrdreg $0xFFFFFFFF  }
0xc0: {  	_ =	task.clear_ibuf [dreg:s6], $0x2FFFF;
	_ =	strace $0x9FFFFFFF  }
0xc1: {  	(tm) =	ssettm $0x7FFFFFFF  }
tec
execute0_lowered:
.L_overlay_start_1:
0x0: {  	(tag) =	ssettag $0x1  }
0x1: {  	s0 =	rddreg [dreg:$0x0];
	s1 =	simm.s32 $0x0  }
0x2: {  	s2 =	srdreg.scid;
	s6 =	stileid.u32;
	s10 =	simm.s32 $0x2  }
0x3: {  	s11 =	simm.s32 $0x80;
	s12 =	simm.s32 $0x800;
	s14 =	simm.s32 $0x8800  }
0x4: {  	s13 =	simm.s32 $0x300;
	s15 =	simm.s32 $0x6800;
	s16 =	simm.s32 $0x700  }
0x5: {  	s17 =	simm.s32 $0xB800;
	s18 =	simm.s32 $0x380;
	s19 =	simm.s32 $0x7800  }
0x6: {  	s20 =	simm.s32 $0x780;
	s21 =	simm.s32 $0xC000;
	s22 =	simm.s32 $0x1  }
0x7: {  	s23 =	simm.s32 $0xC800;
	s25 =	simm.s32 $0x0;
	[smem:$0x7FF] =	sst s1  }
0x8: {  	s3 =	sadd.s32 $0x51000, s0;
	s4 =	sadd.s32 $0x27ADE00, s0;
	s2 =	sand.u32 $0x1, s2  }
0x9: {  	s5 =	sadd.s32 $0x1A00, s0;
	s7 =	sshll.u32 s6, $0x1;
	s8 =	ssub.s32 $0x2, s2  }
0xa: {  	s6 =	sadd.s32 $0x5E000, s0;
	_ =	strace $0x80000047;
	s9 =	sshrl.u32 s8, $0x1  }
0xb: {  	s2 =	sor.u32 s2, s7;
	s7 =	sadd.s32 $0x1FE000, s0;
	s31 =	ssub.s32 s8, s9  }
0xc: {  	v0 =	vlaneseq.u32;
	s8 =	smul.u32 $0x3400, s2;
	s2 =	simm.s32 $0x680;
	s0 =	smax.u32 s31, $0x1  }
0xd: {  	v0 =	vmul.u32 $0x10, v0;
	s9 =	simm.s32 $0xB000;
	[dreg:$0x2] =	wrdreg s0;
	s0 =	simm.s32 $0x5800  }
.LBB2_1:
0xe: {  	[dreg:$0x3] =	wrdreg s25;
	s24 =	simm.s32 $0x0  }
.LBB2_2:
0xf: {  	s25 =	sshll.u32 s24, $0xA  }
0x10: {  	s26 =	sadd.s32 s8, s25  }
0x11: {  	s25 =	sshrl.u32 s26, $0x3  }
0x12: {  	s29 =	simm.s32 $0x0;
	s28 =	sadd.s32 s3, s25  }
0x13: {  	[tilespmem:s29], [sflag:$0x2] =	stream.linear.gather [hbm4b:s28+s29], $0x400, $0x38;
	[tilespmem:$0xCC00] =	vst v63  }
0x14: {  	_ =	swait.ge [sflag:s10], $0x400  }
0x15: {  	[sflag:s10] =	ssyncset.done $0x0  }
0x16: {  	s28 =	simm.s32 $0x0;
	[sflag:s10] =	ssyncadd.s32 $0xFFFFFC00  }
0x17: {  	s29 =	simm.s32 $0x40;
	v1 =	vld [tilespmem:s28+$0x0]  }
.LBB2_3:
0x18: {  	p0 =	sne.s32 s29, $0xFC0  }
.Ltmp0:
0x19: {  	_ = 	snop;
	(pc) =	sbr.rel @p0 .LBB2_3-.Ltmp0, $3  }
0x1a: {  	_ =	sdelay $0x1  }
0x1b: {  	s30 =	sshra.s32 s29, $0x2;
	s29 =	sadd.s32 $0x40, s29;
	v2 =	vshrl.u32 v1, $0x4  }
0x1c: {  	v1 =	vld [tilespmem:s30+$0x0];
	[tilespmem:s28+$0x400] =	vst v2;
	s28 =	smov.u32 s30  }
0x1d: {  	_ =	sdelay $0x3  }
0x1e: {  	v1 =	vshrl.u32 v1, $0x4  }
0x1f: {  	[tilespmem:s28+$0x400] =	vst v1;
	s28 =	simm.s32 $0x0  }
0x20: {  	[tilespmem:s12], [sflag:$0x1] =	stream.indirect.gather [hbm4b:s4+s11], $0x20, s28, s11, $0xb8;
	[tilespmem:$0xCC00] =	vst v63  }
0x21: {  	s29 =	simm.s32 $0x400  }
0x22: {  	[tilespmem:s14], [sflag:$0x1] =	stream.indirect.gather [hbm4b:s5+s11], $0x10, s29, s11, $0xb8;
	[tilespmem:$0xCC00] =	vst v63  }
0x23: {  	s29 =	simm.s32 $0x1800  }
0x24: {  	[tilespmem:s29], [sflag:$0x1] =	stream.indirect.gather [hbm4b:s4+s11], $0x20, s11, s11, $0xb8;
	[tilespmem:$0xCC00] =	vst v63  }
0x25: {  	s30 =	simm.s32 $0x9000;
	s29 =	simm.s32 $0x480  }
0x26: {  	[tilespmem:s30], [sflag:$0x1] =	stream.indirect.gather [hbm4b:s5+s11], $0x10, s29, s11, $0xb8;
	[tilespmem:$0xCC00] =	vst v63  }
0x27: {  	s29 =	simm.s32 $0x100;
	s30 =	simm.s32 $0x2800  }
0x28: {  	[tilespmem:s30], [sflag:$0x1] =	stream.indirect.gather [hbm4b:s4+s11], $0x20, s29, s11, $0xb8;
	[tilespmem:$0xCC00] =	vst v63  }
0x29: {  	s29 =	simm.s32 $0x500;
	s30 =	simm.s32 $0x9800  }
0x2a: {  	[tilespmem:s30], [sflag:$0x1] =	stream.indirect.gather [hbm4b:s5+s11], $0x10, s29, s11, $0xb8;
	[tilespmem:$0xCC00] =	vst v63  }
0x2b: {  	s29 =	simm.s32 $0x180;
	s30 =	simm.s32 $0x3800  }
0x2c: {  	[tilespmem:s30], [sflag:$0x1] =	stream.indirect.gather [hbm4b:s4+s11], $0x20, s29, s11, $0xb8;
	[tilespmem:$0xCC00] =	vst v63  }
0x2d: {  	s29 =	simm.s32 $0x580;
	s30 =	simm.s32 $0xA000  }
0x2e: {  	[tilespmem:s30], [sflag:$0x1] =	stream.indirect.gather [hbm4b:s5+s11], $0x10, s29, s11, $0xb8;
	[tilespmem:$0xCC00] =	vst v63  }
0x2f: {  	s29 =	simm.s32 $0x200;
	s30 =	simm.s32 $0x4800  }
0x30: {  	[tilespmem:s30], [sflag:$0x1] =	stream.indirect.gather [hbm4b:s4+s11], $0x20, s29, s11, $0xb8;
	[tilespmem:$0xCC00] =	vst v63  }
0x31: {  	s29 =	simm.s32 $0x600;
	s30 =	simm.s32 $0xA800  }
0x32: {  	[tilespmem:s30], [sflag:$0x1] =	stream.indirect.gather [hbm4b:s5+s11], $0x10, s29, s11, $0xb8;
	[tilespmem:$0xCC00] =	vst v63  }
0x33: {  	s29 =	simm.s32 $0x280  }
0x34: {  	[tilespmem:s0], [sflag:$0x1] =	stream.indirect.gather [hbm4b:s4+s11], $0x20, s29, s11, $0xb8;
	[tilespmem:$0xCC00] =	vst v63  }
0x35: {  	_ = 	snop  }
0x36: {  	[tilespmem:s9], [sflag:$0x1] =	stream.indirect.gather [hbm4b:s5+s11], $0x10, s2, s11, $0xb8;
	[tilespmem:$0xCC00] =	vst v63  }
0x37: {  	_ = 	snop  }
0x38: {  	[tilespmem:s15], [sflag:$0x1] =	stream.indirect.gather [hbm4b:s4+s11], $0x20, s13, s11, $0xb8;
	[tilespmem:$0xCC00] =	vst v63  }
0x39: {  	_ = 	snop  }
0x3a: {  	[tilespmem:s17], [sflag:$0x1] =	stream.indirect.gather [hbm4b:s5+s11], $0x10, s16, s11, $0xb8;
	[tilespmem:$0xCC00] =	vst v63  }
0x3b: {  	_ = 	snop  }
0x3c: {  	[tilespmem:s19], [sflag:$0x1] =	stream.indirect.gather [hbm4b:s4+s11], $0x20, s18, s11, $0xb8;
	[tilespmem:$0xCC00] =	vst v63  }
0x3d: {  	_ = 	snop  }
0x3e: {  	[tilespmem:s21], [sflag:$0x1] =	stream.indirect.gather [hbm4b:s5+s11], $0x10, s20, s11, $0xb8;
	[tilespmem:$0xCC00] =	vst v63  }
0x3f: {  	_ =	swait.ge [sflag:s22], $0x1000  }
0x40: {  	[sflag:s22] =	ssyncset.done $0x0  }
0x41: {  	[sflag:s22] =	ssyncadd.s32 $0xFFFFF000  }
0x42: {  	_ =	swait.ge [sflag:s22], $0x800  }
0x43: {  	[sflag:s22] =	ssyncset.done $0x0  }
0x44: {  	[sflag:s22] =	ssyncadd.s32 $0xFFFFF800  }
0x45: {  	_ =	swait.ge [sflag:s22], $0x1000  }
0x46: {  	[sflag:s22] =	ssyncset.done $0x0  }
0x47: {  	[sflag:s22] =	ssyncadd.s32 $0xFFFFF000  }
0x48: {  	_ =	swait.ge [sflag:s22], $0x800  }
0x49: {  	[sflag:s22] =	ssyncset.done $0x0  }
0x4a: {  	[sflag:s22] =	ssyncadd.s32 $0xFFFFF800  }
0x4b: {  	_ =	swait.ge [sflag:s22], $0x1000  }
0x4c: {  	[sflag:s22] =	ssyncset.done $0x0  }
0x4d: {  	[sflag:s22] =	ssyncadd.s32 $0xFFFFF000  }
0x4e: {  	_ =	swait.ge [sflag:s22], $0x800  }
0x4f: {  	[sflag:s22] =	ssyncset.done $0x0  }
0x50: {  	[sflag:s22] =	ssyncadd.s32 $0xFFFFF800  }
0x51: {  	_ =	swait.ge [sflag:s22], $0x1000  }
0x52: {  	[sflag:s22] =	ssyncset.done $0x0  }
0x53: {  	[sflag:s22] =	ssyncadd.s32 $0xFFFFF000  }
0x54: {  	_ =	swait.ge [sflag:s22], $0x800  }
0x55: {  	[sflag:s22] =	ssyncset.done $0x0  }
0x56: {  	[sflag:s22] =	ssyncadd.s32 $0xFFFFF800  }
0x57: {  	_ =	swait.ge [sflag:s22], $0x1000  }
0x58: {  	[sflag:s22] =	ssyncset.done $0x0  }
0x59: {  	[sflag:s22] =	ssyncadd.s32 $0xFFFFF000  }
0x5a: {  	_ =	swait.ge [sflag:s22], $0x800  }
0x5b: {  	[sflag:s22] =	ssyncset.done $0x0  }
0x5c: {  	[sflag:s22] =	ssyncadd.s32 $0xFFFFF800  }
0x5d: {  	_ =	swait.ge [sflag:s22], $0x1000  }
0x5e: {  	[sflag:s22] =	ssyncset.done $0x0  }
0x5f: {  	[sflag:s22] =	ssyncadd.s32 $0xFFFFF000  }
0x60: {  	_ =	swait.ge [sflag:s22], $0x800  }
0x61: {  	[sflag:s22] =	ssyncset.done $0x0  }
0x62: {  	[sflag:s22] =	ssyncadd.s32 $0xFFFFF800  }
0x63: {  	_ =	swait.ge [sflag:s22], $0x1000  }
0x64: {  	[sflag:s22] =	ssyncset.done $0x0  }
0x65: {  	[sflag:s22] =	ssyncadd.s32 $0xFFFFF000  }
0x66: {  	_ =	swait.ge [sflag:s22], $0x800  }
0x67: {  	[sflag:s22] =	ssyncset.done $0x0  }
0x68: {  	[sflag:s22] =	ssyncadd.s32 $0xFFFFF800  }
0x69: {  	_ =	swait.ge [sflag:s22], $0x1000  }
0x6a: {  	[sflag:s22] =	ssyncset.done $0x0  }
0x6b: {  	[sflag:s22] =	ssyncadd.s32 $0xFFFFF000  }
0x6c: {  	_ =	swait.ge [sflag:s22], $0x800  }
0x6d: {  	[sflag:s22] =	ssyncset.done $0x0  }
0x6e: {  	[sflag:s22] =	ssyncadd.s32 $0xFFFFF800  }
0x6f: {  	v1 =	vld [tilespmem:s28+$0x0];
	_ =	sdelay $0x2  }
0x70: {  	v2 =	vmov s28  }
0x71: {  	v2 =	vshll.u32 v2, $0x4  }
0x72: {  	v2 =	vor.u32 v0, v2;
	v1 =	vand.u32 $0xF, v1  }
0x73: {  	v1 =	vor.u32 v2, v1;
	_ =	sdelay $0x4  }
0x74: {  	v1 =	vld.idx.msk [tilespmem:v1+s14+$0x0], $0xffff;
	_ =	sdelay $0x3  }
0x75: {  	s28 =	simm.s32 $0xC800  }
0x76: {  	s29 =	simm.s32 $0x10;
	[tilespmem:s28+$0x0] =	vst v1  }
0x77: {  	s31 =	simm.s32 $0x10;
	s30 =	simm.s32 $0x20;
	v1 =	vld [tilespmem:s29+$0x0]  }
.LBB2_5:
0x78: {  	p0 =	sne.s32 s30, $0x3F0;
	_ =	sdelay $0x1  }
0x79: {  	v2 =	vmov s29;
	s29 =	smov.u32 s30  }
0x7a: {  	v2 =	vshll.u32 v2, $0x4  }
0x7b: {  	v2 =	vor.u32 v0, v2;
	v1 =	vand.u32 $0xF, v1  }
0x7c: {  	v1 =	vor.u32 v2, v1;
	_ =	sdelay $0x4  }
0x7d: {  	v1 =	vld.idx.msk [tilespmem:v1+s14+$0x0], $0xffff;
	_ =	sdelay $0x2  }
.Ltmp1:
0x7e: {  	(pc) =	sbr.rel @p0 .LBB2_5-.Ltmp1, $4  }
0x7f: {  	_ = 	snop  }
0x80: {  	s28 =	sadd.s32 $0x10, s28  }
0x81: {  	s31 =	sadd.s32 $0x10, s31;
	[tilespmem:s28+$0x0] =	vst v1  }
0x82: {  	s30 =	sadd.s32 $0x10, s30;
	v1 =	vld [tilespmem:s31+$0x0]  }
0x83: {  	_ =	sdelay $0x1  }
0x84: {  	v2 =	vmov s29  }
0x85: {  	v2 =	vshll.u32 v2, $0x4  }
0x86: {  	v2 =	vor.u32 v0, v2;
	v1 =	vand.u32 $0xF, v1  }
0x87: {  	v1 =	vor.u32 v2, v1;
	_ =	sdelay $0x4  }
0x88: {  	v1 =	vld.idx.msk [tilespmem:v1+s14+$0x0], $0xffff;
	_ =	sdelay $0x3  }
0x89: {  	s28 =	sadd.s32 $0x10, s28;
	s26 =	sshll.u32 s26, $0x2  }
0x8a: {  	s26 =	sadd.s32 s6, s26;
	[tilespmem:s28+$0x0] =	vst v1  }
0x8b: {  	[hbm4b:s26+s1] =	stream.linear.scatter [tilespmem:s12], [sflag:$0x2], $0x8000, $0x38;
	[tilespmem:$0xCC00] =	vst v63  }
0x8c: {  	s24 =	sadd.s32 $0x1, s24;
	_ =	swait.ge [sflag:s10], $0x8000  }
0x8d: {  	p0 =	sne.s32 s24, $0xD;
	[sflag:s10] =	ssyncset.done $0x0  }
.Ltmp2:
0x8e: {  	s25 =	sadd.s32 s7, s25;
	[sflag:s10] =	ssyncadd.s32 $0xFFFF8000;
	(pc) =	sbr.rel @p0 .LBB2_2-.Ltmp2, $4  }
0x8f: {  	[hbm4b:s25+s1] =	stream.linear.scatter [tilespmem:s23], [sflag:$0x2], $0x400, $0x38;
	[tilespmem:$0xCC00] =	vst v63  }
0x90: {  	_ =	swait.ge [sflag:s10], $0x400  }
0x91: {  	[sflag:s10] =	ssyncset.done $0x0  }
0x92: {  	[sflag:s10] =	ssyncadd.s32 $0xFFFFFC00  }
0x93: {  	s25 =	rddreg [dreg:$0x3]  }
0x94: {  	s24 =	rddreg [dreg:$0x2];
	s25 =	sadd.s32 $0x1, s25  }
0x95: {  	p0 =	sne.s32 s25, s24  }
.Ltmp3:
0x96: {  	_ = 	snop;
	(pc) =	sbr.rel @p0 .LBB2_1-.Ltmp3, $1  }
0x97: {  	_ =	sdelay $0x3  }
0x98: {  	_ =	sfence.sel $0x180000  }
0x99: {  	[bflag:$0x0] =	sbarrier.arrive $0xFFFF  }
0x9a: {  	_ =	strace $0x90000047  }
0x9b: {  	s0 =	stileid.u32;
	[bflag:$0x2] =	sbarrier.arrive $0xFFFF  }
0x9c: {  	p0 =	sne.s32 s0, $0x0;
	s0 =	rddreg [dreg:$0x1]  }
0x9d: {  	s0 =	sadd.s32 @!p0 $0x100000, s0  }
0x9e: {  	[sflag:s0] =	ssyncadd.tile.s32 @!p0 $0x1;
	_ =	shalt  }
.Lfunc_end2:
_tile_overlayer_lowered:
.L_overlay_start_2:
0x9f: {  	(tag) =	ssettag $0x2  }
0xa0: {  	s0 =	rddreg [dreg:$0x0];
	s2 =	stileid.u32  }
0xa1: {  	s1 =	rddreg [dreg:$0x1];
	p0 =	sne.s32 s2, $0x0  }
0xa2: {  	s3 =	rddreg [dreg:$0x2];
	[bflag:$0x3] =	sbarrier.arrive $0xFFFF;
	s2 =	simm.s32 @!p0 $0x1C02  }
0xa3: {  	[timem:s3], [sflag:s2] =	dma.local @!p0 [hbm:s0], s1  }
0xa4: {  	s0 =	simm.s32 @!p0 $0x2  }
0xa5: {  	_ =	swait.ge @!p0 [sflag:s0], s1  }
0xa6: {  	s1 =	ssub.s32 @!p0 $0x0, s1;
	[sflag:s0] =	ssyncset.done @!p0 $0x0  }
0xa7: {  	[sflag:s0] =	ssyncadd.s32 @!p0 s1  }
0xa8: {  	[bflag:$0x3] =	sbarrier.arrive $0xFFFF  }
0xa9: {  	_ =	shalt  }

</sc_bundles>
